<compile_context>
chip_gen: v7x
topology: tpu7x:2x2x1
jax: 0.10.2.dev20260603
libtpu: 0.0.44.dev20260713+nightly
codegen_flags: <defaults>
</compile_context>

<pallas_src>
import functools

import jax
import jax.numpy as jnp
from jax import lax
from jax.experimental import pallas as pl
from jax.experimental.pallas import tpu as pltpu
from jax.experimental.pallas import tpu_sc as plsc

_NSAMPLE = 1_000_000
_NREP = 64
_BATCH = 16384

_info = plsc.get_sparse_core_info()
_NC, _NS = _info.num_cores, _info.num_subcores
_NW = _NC * _NS
_B_PER_W = _BATCH // _NW
_G = 16
_NGRP = _B_PER_W // _G


@functools.partial(
    pl.kernel,
    mesh=plsc.VectorSubcoreMesh(core_axis_name="c", subcore_axis_name="s"),
    out_type=jax.ShapeDtypeStruct((_BATCH * _NREP,), jnp.float32),
    scratch_types=[
        pltpu.VMEM((_B_PER_W,), jnp.int32),
        pltpu.VMEM((_B_PER_W * _NREP,), jnp.float32),
        pltpu.SemaphoreType.DMA,
    ],
)
def _gather_kernel(idx_hbm, z_hbm, out_hbm, idx_v, rows_v, sem):
    wid = lax.axis_index("s") * _NC + lax.axis_index("c")
    base = wid * _B_PER_W
    pltpu.sync_copy(idx_hbm.at[pl.ds(base, _B_PER_W)], idx_v)

    def body(g, _):
        vec = idx_v[pl.ds(g * _G, _G)]
        for l in range(_G):
            t = vec[l]
            k = g * _G + l
            pltpu.async_copy(z_hbm.at[pl.ds(t * _NREP, _NREP)],
                             rows_v.at[pl.ds(k * _NREP, _NREP)], sem)
        return 0

    lax.fori_loop(0, _NGRP, body, 0)

    def drain_body(g, _):
        for _ in range(_G):
            pltpu.make_async_copy(z_hbm.at[pl.ds(0, _NREP)],
                                  rows_v.at[pl.ds(0, _NREP)], sem).wait()
        return 0

    lax.fori_loop(0, _NGRP, drain_body, 0)

    pltpu.sync_copy(rows_v, out_hbm.at[pl.ds(base * _NREP, _B_PER_W * _NREP)])


def kernel(idx, z):
    out_flat = _gather_kernel(idx.astype(jnp.int32), z.reshape(-1))
    return out_flat.reshape(_BATCH, _NREP)

# --- scband reference (transcript-rebuilt; emitter-appended) ---
"""Pipeline reference for scband-representation-layer-50379966382116 (READ-ONLY COPY).

The authoritative reference and input builder live on the scoring server;
editing this copy changes nothing except your own understanding.
"""

import jax, jax.numpy as jnp
import numpy as np

NSAMPLE = 1000000
NREP = 64
BATCH = 16384

def setup_inputs(seed: int = 0) -> dict:
    key = jax.random.key(seed)
    k_z, k_idx = jax.random.split(key)
    # RepresentationLayer init: normal(mean=0.0, stddev=1.0) of shape (nsample, nrep)
    z = 0.0 + 1.0 * jax.random.normal(k_z, (NSAMPLE, NREP), dtype=jnp.float32)
    idx = jax.random.randint(k_idx, (BATCH,), 0, NSAMPLE, dtype=jnp.int64 if jax.config.jax_enable_x64 else jnp.int32)
    return {"idx": idx, "z": z}

def reference(idx, z):
    # forward(idx) -> self.z[idx]  (plain row gather from embedding table)
    return jnp.take(z, idx, axis=0)

if __name__ == "__main__":
    import jax
    _d = setup_inputs()
    print(jax.jit(kernel)(*tuple(_d.values())))

</pallas_src>

<mosaic_0001>
#map = affine_map<(d0, d1) -> (0)>
module attributes {stable_mosaic.version = 14 : i64} {
  func.func @_gather_kernel(%arg0: i32, %arg1: i32, %arg2: memref<16384xi32, #tpu.memory_space<hbm>>, %arg3: memref<64000000xf32, #tpu.memory_space<hbm>>, %arg4: memref<1048576xf32, #tpu.memory_space<hbm>>, %arg5: memref<512xi32, #tpu.memory_space<vmem>>, %arg6: memref<32768xf32, #tpu.memory_space<vmem>>, %arg7: memref<!tpu.dma_semaphore, #tpu.memory_space<semaphore_mem>>) attributes {dimension_semantics = [#tpu.dimension_semantics<core_parallel>, #tpu.dimension_semantics<subcore_parallel>], iteration_bounds = array<i64: 2, 16>, scalar_prefetch = 0 : i64, scratch_operands = 3 : i64, tpu.core_type = #tpu.core_type<sc_vector_subcore>, window_params = [{transform_indices = #map}, {transform_indices = #map}, {transform_indices = #map}]} {
    %mul3A = arith.constant 2 : i32
    %mul3A_0 = arith.muli %arg1, %mul3A : i32
    %add3A = arith.addi %mul3A_0, %arg0 : i32
    %mul3A_1 = arith.constant 512 : i32
    %mul3A_2 = arith.muli %add3A, %mul3A_1 : i32
    "tpu.region"() ({
      %run_scoped3A = tpu.sem_alloc : memref<!tpu.dma_semaphore, #tpu.memory_space<semaphore_mem>>
      %dma_start3A = tpu.memref_slice %arg2[%mul3A_2] : memref<16384xi32, #tpu.memory_space<hbm>> -> memref<512xi32, #tpu.memory_space<hbm>>
      %dma_start3A_18 = tpu.memref_slice %arg2[%mul3A_2] : memref<16384xi32, #tpu.memory_space<hbm>> -> memref<512xi32, #tpu.memory_space<hbm>>
      tpu.enqueue_dma source(%dma_start3A_18 : memref<512xi32, #tpu.memory_space<hbm>>) target(%arg5 : memref<512xi32, #tpu.memory_space<vmem>>) target_semaphore(%run_scoped3A : memref<!tpu.dma_semaphore, #tpu.memory_space<semaphore_mem>>)
      %dma_wait3A = tpu.memref_slice %arg2[%mul3A_2] : memref<16384xi32, #tpu.memory_space<hbm>> -> memref<512xi32, #tpu.memory_space<hbm>>
      %dma_wait3A_19 = tpu.memref_slice %arg2[%mul3A_2] : memref<16384xi32, #tpu.memory_space<hbm>> -> memref<512xi32, #tpu.memory_space<hbm>>
      tpu.wait_dma2 semaphore(%run_scoped3A : memref<!tpu.dma_semaphore, #tpu.memory_space<semaphore_mem>>) src(%dma_wait3A_19 : memref<512xi32, #tpu.memory_space<hbm>>) dst(%arg5 : memref<512xi32, #tpu.memory_space<vmem>>)
      tpu.yield
    }) : () -> ()
    %scan3A = arith.constant 0 : i32
    %scan3A_3 = arith.constant 0 : i32
    %scan3A_4 = arith.constant 32 : i32
    %scan3A_5 = arith.addi %scan3A_3, %scan3A_4 : i32
    %scan3A_6 = arith.constant 1 : i32
    %scan3A_7 = scf.for %scan3A_18 = %scan3A_3 to %scan3A_5 step %scan3A_6 iter_args(%scan3A_19 = %scan3A) -> (i32)  : i32 {
      %mul3A_20 = arith.constant 16 : i32
      %mul3A_21 = arith.muli %scan3A_18, %mul3A_20 : i32
      %get3A = arith.index_cast %mul3A_21 : i32 to index
      %get3A_22 = tpu.vector_load %arg5[%get3A] {strides = array<i32>} : memref<512xi32, #tpu.memory_space<vmem>>, vector<16xi32>,
      %get3A_23 = vector.shape_cast %get3A_22 : vector<16xi32> to vector<16xi32>
      %slice3A = vector.extract_strided_slice %get3A_23 {offsets = [0], sizes = [1], strides = [1]} : vector<16xi32> to vector<1xi32>
      %squeeze3A = vector.extract %slice3A[0] : i32 from vector<1xi32>
      %mul3A_24 = arith.constant 16 : i32
      %mul3A_25 = arith.muli %scan3A_18, %mul3A_24 : i32
      %add3A_26 = arith.constant 0 : i32
      %add3A_27 = arith.addi %mul3A_25, %add3A_26 : i32
      %mul3A_28 = arith.constant 64 : i32
      %mul3A_29 = arith.muli %squeeze3A, %mul3A_28 : i32
      %mul3A_30 = arith.constant 64 : i32
      %mul3A_31 = arith.muli %add3A_27, %mul3A_30 : i32
      %dma_start3A = tpu.memref_slice %arg6[%mul3A_31] : memref<32768xf32, #tpu.memory_space<vmem>> -> memref<64xf32, #tpu.memory_space<vmem>>
      %dma_start3A_32 = tpu.memref_slice %arg3[%mul3A_29] : memref<64000000xf32, #tpu.memory_space<hbm>> -> memref<64xf32, #tpu.memory_space<hbm>>
      %dma_start3A_33 = tpu.memref_slice %arg6[%mul3A_31] : memref<32768xf32, #tpu.memory_space<vmem>> -> memref<64xf32, #tpu.memory_space<vmem>>
      %dma_start3A_34 = tpu.memref_slice %arg3[%mul3A_29] : memref<64000000xf32, #tpu.memory_space<hbm>> -> memref<64xf32, #tpu.memory_space<hbm>>
      tpu.enqueue_dma source(%dma_start3A_34 : memref<64xf32, #tpu.memory_space<hbm>>) target(%dma_start3A_33 : memref<64xf32, #tpu.memory_space<vmem>>) target_semaphore(%arg7 : memref<!tpu.dma_semaphore, #tpu.memory_space<semaphore_mem>>)
      %slice3A_35 = vector.extract_strided_slice %get3A_23 {offsets = [1], sizes = [1], strides = [1]} : vector<16xi32> to vector<1xi32>
      %squeeze3A_36 = vector.extract %slice3A_35[0] : i32 from vector<1xi32>
      %mul3A_37 = arith.constant 16 : i32
      %mul3A_38 = arith.muli %scan3A_18, %mul3A_37 : i32
      %add3A_39 = arith.constant 1 : i32
      %add3A_40 = arith.addi %mul3A_38, %add3A_39 : i32
      %mul3A_41 = arith.constant 64 : i32
      %mul3A_42 = arith.muli %squeeze3A_36, %mul3A_41 : i32
      %mul3A_43 = arith.constant 64 : i32
      %mul3A_44 = arith.muli %add3A_40, %mul3A_43 : i32
      %dma_start3A_45 = tpu.memref_slice %arg6[%mul3A_44] : memref<32768xf32, #tpu.memory_space<vmem>> -> memref<64xf32, #tpu.memory_space<vmem>>
      %dma_start3A_46 = tpu.memref_slice %arg3[%mul3A_42] : memref<64000000xf32, #tpu.memory_space<hbm>> -> memref<64xf32, #tpu.memory_space<hbm>>
      %dma_start3A_47 = tpu.memref_slice %arg6[%mul3A_44] : memref<32768xf32, #tpu.memory_space<vmem>> -> memref<64xf32, #tpu.memory_space<vmem>>
      %dma_start3A_48 = tpu.memref_slice %arg3[%mul3A_42] : memref<64000000xf32, #tpu.memory_space<hbm>> -> memref<64xf32, #tpu.memory_space<hbm>>
      tpu.enqueue_dma source(%dma_start3A_48 : memref<64xf32, #tpu.memory_space<hbm>>) target(%dma_start3A_47 : memref<64xf32, #tpu.memory_space<vmem>>) target_semaphore(%arg7 : memref<!tpu.dma_semaphore, #tpu.memory_space<semaphore_mem>>)
      %slice3A_49 = vector.extract_strided_slice %get3A_23 {offsets = [2], sizes = [1], strides = [1]} : vector<16xi32> to vector<1xi32>
      %squeeze3A_50 = vector.extract %slice3A_49[0] : i32 from vector<1xi32>
      %mul3A_51 = arith.constant 16 : i32
      %mul3A_52 = arith.muli %scan3A_18, %mul3A_51 : i32
      %add3A_53 = arith.constant 2 : i32
      %add3A_54 = arith.addi %mul3A_52, %add3A_53 : i32
      %mul3A_55 = arith.constant 64 : i32
      %mul3A_56 = arith.muli %squeeze3A_50, %mul3A_55 : i32
      %mul3A_57 = arith.constant 64 : i32
      %mul3A_58 = arith.muli %add3A_54, %mul3A_57 : i32
      %dma_start3A_59 = tpu.memref_slice %arg6[%mul3A_58] : memref<32768xf32, #tpu.memory_space<vmem>> -> memref<64xf32, #tpu.memory_space<vmem>>
      %dma_start3A_60 = tpu.memref_slice %arg3[%mul3A_56] : memref<64000000xf32, #tpu.memory_space<hbm>> -> memref<64xf32, #tpu.memory_space<hbm>>
      %dma_start3A_61 = tpu.memref_slice %arg6[%mul3A_58] : memref<32768xf32, #tpu.memory_space<vmem>> -> memref<64xf32, #tpu.memory_space<vmem>>
      %dma_start3A_62 = tpu.memref_slice %arg3[%mul3A_56] : memref<64000000xf32, #tpu.memory_space<hbm>> -> memref<64xf32, #tpu.memory_space<hbm>>
      tpu.enqueue_dma source(%dma_start3A_62 : memref<64xf32, #tpu.memory_space<hbm>>) target(%dma_start3A_61 : memref<64xf32, #tpu.memory_space<vmem>>) target_semaphore(%arg7 : memref<!tpu.dma_semaphore, #tpu.memory_space<semaphore_mem>>)
      %slice3A_63 = vector.extract_strided_slice %get3A_23 {offsets = [3], sizes = [1], strides = [1]} : vector<16xi32> to vector<1xi32>
      %squeeze3A_64 = vector.extract %slice3A_63[0] : i32 from vector<1xi32>
      %mul3A_65 = arith.constant 16 : i32
      %mul3A_66 = arith.muli %scan3A_18, %mul3A_65 : i32
      %add3A_67 = arith.constant 3 : i32
      %add3A_68 = arith.addi %mul3A_66, %add3A_67 : i32
      %mul3A_69 = arith.constant 64 : i32
      %mul3A_70 = arith.muli %squeeze3A_64, %mul3A_69 : i32
      %mul3A_71 = arith.constant 64 : i32
      %mul3A_72 = arith.muli %add3A_68, %mul3A_71 : i32
      %dma_start3A_73 = tpu.memref_slice %arg6[%mul3A_72] : memref<32768xf32, #tpu.memory_space<vmem>> -> memref<64xf32, #tpu.memory_space<vmem>>
      %dma_start3A_74 = tpu.memref_slice %arg3[%mul3A_70] : memref<64000000xf32, #tpu.memory_space<hbm>> -> memref<64xf32, #tpu.memory_space<hbm>>
      %dma_start3A_75 = tpu.memref_slice %arg6[%mul3A_72] : memref<32768xf32, #tpu.memory_space<vmem>> -> memref<64xf32, #tpu.memory_space<vmem>>
      %dma_start3A_76 = tpu.memref_slice %arg3[%mul3A_70] : memref<64000000xf32, #tpu.memory_space<hbm>> -> memref<64xf32, #tpu.memory_space<hbm>>
      tpu.enqueue_dma source(%dma_start3A_76 : memref<64xf32, #tpu.memory_space<hbm>>) target(%dma_start3A_75 : memref<64xf32, #tpu.memory_space<vmem>>) target_semaphore(%arg7 : memref<!tpu.dma_semaphore, #tpu.memory_space<semaphore_mem>>)
      %slice3A_77 = vector.extract_strided_slice %get3A_23 {offsets = [4], sizes = [1], strides = [1]} : vector<16xi32> to vector<1xi32>
      %squeeze3A_78 = vector.extract %slice3A_77[0] : i32 from vector<1xi32>
      %mul3A_79 = arith.constant 16 : i32
      %mul3A_80 = arith.muli %scan3A_18, %mul3A_79 : i32
      %add3A_81 = arith.constant 4 : i32
      %add3A_82 = arith.addi %mul3A_80, %add3A_81 : i32
      %mul3A_83 = arith.constant 64 : i32
      %mul3A_84 = arith.muli %squeeze3A_78, %mul3A_83 : i32
      %mul3A_85 = arith.constant 64 : i32
      %mul3A_86 = arith.muli %add3A_82, %mul3A_85 : i32
      %dma_start3A_87 = tpu.memref_slice %arg6[%mul3A_86] : memref<32768xf32, #tpu.memory_space<vmem>> -> memref<64xf32, #tpu.memory_space<vmem>>
      %dma_start3A_88 = tpu.memref_slice %arg3[%mul3A_84] : memref<64000000xf32, #tpu.memory_space<hbm>> -> memref<64xf32, #tpu.memory_space<hbm>>
      %dma_start3A_89 = tpu.memref_slice %arg6[%mul3A_86] : memref<32768xf32, #tpu.memory_space<vmem>> -> memref<64xf32, #tpu.memory_space<vmem>>
      %dma_start3A_90 = tpu.memref_slice %arg3[%mul3A_84] : memref<64000000xf32, #tpu.memory_space<hbm>> -> memref<64xf32, #tpu.memory_space<hbm>>
      tpu.enqueue_dma source(%dma_start3A_90 : memref<64xf32, #tpu.memory_space<hbm>>) target(%dma_start3A_89 : memref<64xf32, #tpu.memory_space<vmem>>) target_semaphore(%arg7 : memref<!tpu.dma_semaphore, #tpu.memory_space<semaphore_mem>>)
      %slice3A_91 = vector.extract_strided_slice %get3A_23 {offsets = [5], sizes = [1], strides = [1]} : vector<16xi32> to vector<1xi32>
      %squeeze3A_92 = vector.extract %slice3A_91[0] : i32 from vector<1xi32>
      %mul3A_93 = arith.constant 16 : i32
      %mul3A_94 = arith.muli %scan3A_18, %mul3A_93 : i32
      %add3A_95 = arith.constant 5 : i32
      %add3A_96 = arith.addi %mul3A_94, %add3A_95 : i32
      %mul3A_97 = arith.constant 64 : i32
      %mul3A_98 = arith.muli %squeeze3A_92, %mul3A_97 : i32
      %mul3A_99 = arith.constant 64 : i32
      %mul3A_100 = arith.muli %add3A_96, %mul3A_99 : i32
      %dma_start3A_101 = tpu.memref_slice %arg6[%mul3A_100] : memref<32768xf32, #tpu.memory_space<vmem>> -> memref<64xf32, #tpu.memory_space<vmem>>
      %dma_start3A_102 = tpu.memref_slice %arg3[%mul3A_98] : memref<64000000xf32, #tpu.memory_space<hbm>> -> memref<64xf32, #tpu.memory_space<hbm>>
      %dma_start3A_103 = tpu.memref_slice %arg6[%mul3A_100] : memref<32768xf32, #tpu.memory_space<vmem>> -> memref<64xf32, #tpu.memory_space<vmem>>
      %dma_start3A_104 = tpu.memref_slice %arg3[%mul3A_98] : memref<64000000xf32, #tpu.memory_space<hbm>> -> memref<64xf32, #tpu.memory_space<hbm>>
      tpu.enqueue_dma source(%dma_start3A_104 : memref<64xf32, #tpu.memory_space<hbm>>) target(%dma_start3A_103 : memref<64xf32, #tpu.memory_space<vmem>>) target_semaphore(%arg7 : memref<!tpu.dma_semaphore, #tpu.memory_space<semaphore_mem>>)
      %slice3A_105 = vector.extract_strided_slice %get3A_23 {offsets = [6], sizes = [1], strides = [1]} : vector<16xi32> to vector<1xi32>
      %squeeze3A_106 = vector.extract %slice3A_105[0] : i32 from vector<1xi32>
      %mul3A_107 = arith.constant 16 : i32
      %mul3A_108 = arith.muli %scan3A_18, %mul3A_107 : i32
      %add3A_109 = arith.constant 6 : i32
      %add3A_110 = arith.addi %mul3A_108, %add3A_109 : i32
      %mul3A_111 = arith.constant 64 : i32
      %mul3A_112 = arith.muli %squeeze3A_106, %mul3A_111 : i32
      %mul3A_113 = arith.constant 64 : i32
      %mul3A_114 = arith.muli %add3A_110, %mul3A_113 : i32
      %dma_start3A_115 = tpu.memref_slice %arg6[%mul3A_114] : memref<32768xf32, #tpu.memory_space<vmem>> -> memref<64xf32, #tpu.memory_space<vmem>>
      %dma_start3A_116 = tpu.memref_slice %arg3[%mul3A_112] : memref<64000000xf32, #tpu.memory_space<hbm>> -> memref<64xf32, #tpu.memory_space<hbm>>
      %dma_start3A_117 = tpu.memref_slice %arg6[%mul3A_114] : memref<32768xf32, #tpu.memory_space<vmem>> -> memref<64xf32, #tpu.memory_space<vmem>>
      %dma_start3A_118 = tpu.memref_slice %arg3[%mul3A_112] : memref<64000000xf32, #tpu.memory_space<hbm>> -> memref<64xf32, #tpu.memory_space<hbm>>
      tpu.enqueue_dma source(%dma_start3A_118 : memref<64xf32, #tpu.memory_space<hbm>>) target(%dma_start3A_117 : memref<64xf32, #tpu.memory_space<vmem>>) target_semaphore(%arg7 : memref<!tpu.dma_semaphore, #tpu.memory_space<semaphore_mem>>)
      %slice3A_119 = vector.extract_strided_slice %get3A_23 {offsets = [7], sizes = [1], strides = [1]} : vector<16xi32> to vector<1xi32>
      %squeeze3A_120 = vector.extract %slice3A_119[0] : i32 from vector<1xi32>
      %mul3A_121 = arith.constant 16 : i32
      %mul3A_122 = arith.muli %scan3A_18, %mul3A_121 : i32
      %add3A_123 = arith.constant 7 : i32
      %add3A_124 = arith.addi %mul3A_122, %add3A_123 : i32
      %mul3A_125 = arith.constant 64 : i32
      %mul3A_126 = arith.muli %squeeze3A_120, %mul3A_125 : i32
      %mul3A_127 = arith.constant 64 : i32
      %mul3A_128 = arith.muli %add3A_124, %mul3A_127 : i32
      %dma_start3A_129 = tpu.memref_slice %arg6[%mul3A_128] : memref<32768xf32, #tpu.memory_space<vmem>> -> memref<64xf32, #tpu.memory_space<vmem>>
      %dma_start3A_130 = tpu.memref_slice %arg3[%mul3A_126] : memref<64000000xf32, #tpu.memory_space<hbm>> -> memref<64xf32, #tpu.memory_space<hbm>>
      %dma_start3A_131 = tpu.memref_slice %arg6[%mul3A_128] : memref<32768xf32, #tpu.memory_space<vmem>> -> memref<64xf32, #tpu.memory_space<vmem>>
      %dma_start3A_132 = tpu.memref_slice %arg3[%mul3A_126] : memref<64000000xf32, #tpu.memory_space<hbm>> -> memref<64xf32, #tpu.memory_space<hbm>>
      tpu.enqueue_dma source(%dma_start3A_132 : memref<64xf32, #tpu.memory_space<hbm>>) target(%dma_start3A_131 : memref<64xf32, #tpu.memory_space<vmem>>) target_semaphore(%arg7 : memref<!tpu.dma_semaphore, #tpu.memory_space<semaphore_mem>>)
      %slice3A_133 = vector.extract_strided_slice %get3A_23 {offsets = [8], sizes = [1], strides = [1]} : vector<16xi32> to vector<1xi32>
      %squeeze3A_134 = vector.extract %slice3A_133[0] : i32 from vector<1xi32>
      %mul3A_135 = arith.constant 16 : i32
      %mul3A_136 = arith.muli %scan3A_18, %mul3A_135 : i32
      %add3A_137 = arith.constant 8 : i32
      %add3A_138 = arith.addi %mul3A_136, %add3A_137 : i32
      %mul3A_139 = arith.constant 64 : i32
      %mul3A_140 = arith.muli %squeeze3A_134, %mul3A_139 : i32
      %mul3A_141 = arith.constant 64 : i32
      %mul3A_142 = arith.muli %add3A_138, %mul3A_141 : i32
      %dma_start3A_143 = tpu.memref_slice %arg6[%mul3A_142] : memref<32768xf32, #tpu.memory_space<vmem>> -> memref<64xf32, #tpu.memory_space<vmem>>
      %dma_start3A_144 = tpu.memref_slice %arg3[%mul3A_140] : memref<64000000xf32, #tpu.memory_space<hbm>> -> memref<64xf32, #tpu.memory_space<hbm>>
      %dma_start3A_145 = tpu.memref_slice %arg6[%mul3A_142] : memref<32768xf32, #tpu.memory_space<vmem>> -> memref<64xf32, #tpu.memory_space<vmem>>
      %dma_start3A_146 = tpu.memref_slice %arg3[%mul3A_140] : memref<64000000xf32, #tpu.memory_space<hbm>> -> memref<64xf32, #tpu.memory_space<hbm>>
      tpu.enqueue_dma source(%dma_start3A_146 : memref<64xf32, #tpu.memory_space<hbm>>) target(%dma_start3A_145 : memref<64xf32, #tpu.memory_space<vmem>>) target_semaphore(%arg7 : memref<!tpu.dma_semaphore, #tpu.memory_space<semaphore_mem>>)
      %slice3A_147 = vector.extract_strided_slice %get3A_23 {offsets = [9], sizes = [1], strides = [1]} : vector<16xi32> to vector<1xi32>
      %squeeze3A_148 = vector.extract %slice3A_147[0] : i32 from vector<1xi32>
      %mul3A_149 = arith.constant 16 : i32
      %mul3A_150 = arith.muli %scan3A_18, %mul3A_149 : i32
      %add3A_151 = arith.constant 9 : i32
      %add3A_152 = arith.addi %mul3A_150, %add3A_151 : i32
      %mul3A_153 = arith.constant 64 : i32
      %mul3A_154 = arith.muli %squeeze3A_148, %mul3A_153 : i32
      %mul3A_155 = arith.constant 64 : i32
      %mul3A_156 = arith.muli %add3A_152, %mul3A_155 : i32
      %dma_start3A_157 = tpu.memref_slice %arg6[%mul3A_156] : memref<32768xf32, #tpu.memory_space<vmem>> -> memref<64xf32, #tpu.memory_space<vmem>>
      %dma_start3A_158 = tpu.memref_slice %arg3[%mul3A_154] : memref<64000000xf32, #tpu.memory_space<hbm>> -> memref<64xf32, #tpu.memory_space<hbm>>
      %dma_start3A_159 = tpu.memref_slice %arg6[%mul3A_156] : memref<32768xf32, #tpu.memory_space<vmem>> -> memref<64xf32, #tpu.memory_space<vmem>>
      %dma_start3A_160 = tpu.memref_slice %arg3[%mul3A_154] : memref<64000000xf32, #tpu.memory_space<hbm>> -> memref<64xf32, #tpu.memory_space<hbm>>
      tpu.enqueue_dma source(%dma_start3A_160 : memref<64xf32, #tpu.memory_space<hbm>>) target(%dma_start3A_159 : memref<64xf32, #tpu.memory_space<vmem>>) target_semaphore(%arg7 : memref<!tpu.dma_semaphore, #tpu.memory_space<semaphore_mem>>)
      %slice3A_161 = vector.extract_strided_slice %get3A_23 {offsets = [10], sizes = [1], strides = [1]} : vector<16xi32> to vector<1xi32>
      %squeeze3A_162 = vector.extract %slice3A_161[0] : i32 from vector<1xi32>
      %mul3A_163 = arith.constant 16 : i32
      %mul3A_164 = arith.muli %scan3A_18, %mul3A_163 : i32
      %add3A_165 = arith.constant 10 : i32
      %add3A_166 = arith.addi %mul3A_164, %add3A_165 : i32
      %mul3A_167 = arith.constant 64 : i32
      %mul3A_168 = arith.muli %squeeze3A_162, %mul3A_167 : i32
      %mul3A_169 = arith.constant 64 : i32
      %mul3A_170 = arith.muli %add3A_166, %mul3A_169 : i32
      %dma_start3A_171 = tpu.memref_slice %arg6[%mul3A_170] : memref<32768xf32, #tpu.memory_space<vmem>> -> memref<64xf32, #tpu.memory_space<vmem>>
      %dma_start3A_172 = tpu.memref_slice %arg3[%mul3A_168] : memref<64000000xf32, #tpu.memory_space<hbm>> -> memref<64xf32, #tpu.memory_space<hbm>>
      %dma_start3A_173 = tpu.memref_slice %arg6[%mul3A_170] : memref<32768xf32, #tpu.memory_space<vmem>> -> memref<64xf32, #tpu.memory_space<vmem>>
      %dma_start3A_174 = tpu.memref_slice %arg3[%mul3A_168] : memref<64000000xf32, #tpu.memory_space<hbm>> -> memref<64xf32, #tpu.memory_space<hbm>>
      tpu.enqueue_dma source(%dma_start3A_174 : memref<64xf32, #tpu.memory_space<hbm>>) target(%dma_start3A_173 : memref<64xf32, #tpu.memory_space<vmem>>) target_semaphore(%arg7 : memref<!tpu.dma_semaphore, #tpu.memory_space<semaphore_mem>>)
      %slice3A_175 = vector.extract_strided_slice %get3A_23 {offsets = [11], sizes = [1], strides = [1]} : vector<16xi32> to vector<1xi32>
      %squeeze3A_176 = vector.extract %slice3A_175[0] : i32 from vector<1xi32>
      %mul3A_177 = arith.constant 16 : i32
      %mul3A_178 = arith.muli %scan3A_18, %mul3A_177 : i32
      %add3A_179 = arith.constant 11 : i32
      %add3A_180 = arith.addi %mul3A_178, %add3A_179 : i32
      %mul3A_181 = arith.constant 64 : i32
      %mul3A_182 = arith.muli %squeeze3A_176, %mul3A_181 : i32
      %mul3A_183 = arith.constant 64 : i32
      %mul3A_184 = arith.muli %add3A_180, %mul3A_183 : i32
      %dma_start3A_185 = tpu.memref_slice %arg6[%mul3A_184] : memref<32768xf32, #tpu.memory_space<vmem>> -> memref<64xf32, #tpu.memory_space<vmem>>
      %dma_start3A_186 = tpu.memref_slice %arg3[%mul3A_182] : memref<64000000xf32, #tpu.memory_space<hbm>> -> memref<64xf32, #tpu.memory_space<hbm>>
      %dma_start3A_187 = tpu.memref_slice %arg6[%mul3A_184] : memref<32768xf32, #tpu.memory_space<vmem>> -> memref<64xf32, #tpu.memory_space<vmem>>
      %dma_start3A_188 = tpu.memref_slice %arg3[%mul3A_182] : memref<64000000xf32, #tpu.memory_space<hbm>> -> memref<64xf32, #tpu.memory_space<hbm>>
      tpu.enqueue_dma source(%dma_start3A_188 : memref<64xf32, #tpu.memory_space<hbm>>) target(%dma_start3A_187 : memref<64xf32, #tpu.memory_space<vmem>>) target_semaphore(%arg7 : memref<!tpu.dma_semaphore, #tpu.memory_space<semaphore_mem>>)
      %slice3A_189 = vector.extract_strided_slice %get3A_23 {offsets = [12], sizes = [1], strides = [1]} : vector<16xi32> to vector<1xi32>
      %squeeze3A_190 = vector.extract %slice3A_189[0] : i32 from vector<1xi32>
      %mul3A_191 = arith.constant 16 : i32
      %mul3A_192 = arith.muli %scan3A_18, %mul3A_191 : i32
      %add3A_193 = arith.constant 12 : i32
      %add3A_194 = arith.addi %mul3A_192, %add3A_193 : i32
      %mul3A_195 = arith.constant 64 : i32
      %mul3A_196 = arith.muli %squeeze3A_190, %mul3A_195 : i32
      %mul3A_197 = arith.constant 64 : i32
      %mul3A_198 = arith.muli %add3A_194, %mul3A_197 : i32
      %dma_start3A_199 = tpu.memref_slice %arg6[%mul3A_198] : memref<32768xf32, #tpu.memory_space<vmem>> -> memref<64xf32, #tpu.memory_space<vmem>>
      %dma_start3A_200 = tpu.memref_slice %arg3[%mul3A_196] : memref<64000000xf32, #tpu.memory_space<hbm>> -> memref<64xf32, #tpu.memory_space<hbm>>
      %dma_start3A_201 = tpu.memref_slice %arg6[%mul3A_198] : memref<32768xf32, #tpu.memory_space<vmem>> -> memref<64xf32, #tpu.memory_space<vmem>>
      %dma_start3A_202 = tpu.memref_slice %arg3[%mul3A_196] : memref<64000000xf32, #tpu.memory_space<hbm>> -> memref<64xf32, #tpu.memory_space<hbm>>
      tpu.enqueue_dma source(%dma_start3A_202 : memref<64xf32, #tpu.memory_space<hbm>>) target(%dma_start3A_201 : memref<64xf32, #tpu.memory_space<vmem>>) target_semaphore(%arg7 : memref<!tpu.dma_semaphore, #tpu.memory_space<semaphore_mem>>)
      %slice3A_203 = vector.extract_strided_slice %get3A_23 {offsets = [13], sizes = [1], strides = [1]} : vector<16xi32> to vector<1xi32>
      %squeeze3A_204 = vector.extract %slice3A_203[0] : i32 from vector<1xi32>
      %mul3A_205 = arith.constant 16 : i32
      %mul3A_206 = arith.muli %scan3A_18, %mul3A_205 : i32
      %add3A_207 = arith.constant 13 : i32
      %add3A_208 = arith.addi %mul3A_206, %add3A_207 : i32
      %mul3A_209 = arith.constant 64 : i32
      %mul3A_210 = arith.muli %squeeze3A_204, %mul3A_209 : i32
      %mul3A_211 = arith.constant 64 : i32
      %mul3A_212 = arith.muli %add3A_208, %mul3A_211 : i32
      %dma_start3A_213 = tpu.memref_slice %arg6[%mul3A_212] : memref<32768xf32, #tpu.memory_space<vmem>> -> memref<64xf32, #tpu.memory_space<vmem>>
      %dma_start3A_214 = tpu.memref_slice %arg3[%mul3A_210] : memref<64000000xf32, #tpu.memory_space<hbm>> -> memref<64xf32, #tpu.memory_space<hbm>>
      %dma_start3A_215 = tpu.memref_slice %arg6[%mul3A_212] : memref<32768xf32, #tpu.memory_space<vmem>> -> memref<64xf32, #tpu.memory_space<vmem>>
      %dma_start3A_216 = tpu.memref_slice %arg3[%mul3A_210] : memref<64000000xf32, #tpu.memory_space<hbm>> -> memref<64xf32, #tpu.memory_space<hbm>>
      tpu.enqueue_dma source(%dma_start3A_216 : memref<64xf32, #tpu.memory_space<hbm>>) target(%dma_start3A_215 : memref<64xf32, #tpu.memory_space<vmem>>) target_semaphore(%arg7 : memref<!tpu.dma_semaphore, #tpu.memory_space<semaphore_mem>>)
      %slice3A_217 = vector.extract_strided_slice %get3A_23 {offsets = [14], sizes = [1], strides = [1]} : vector<16xi32> to vector<1xi32>
      %squeeze3A_218 = vector.extract %slice3A_217[0] : i32 from vector<1xi32>
      %mul3A_219 = arith.constant 16 : i32
      %mul3A_220 = arith.muli %scan3A_18, %mul3A_219 : i32
      %add3A_221 = arith.constant 14 : i32
      %add3A_222 = arith.addi %mul3A_220, %add3A_221 : i32
      %mul3A_223 = arith.constant 64 : i32
      %mul3A_224 = arith.muli %squeeze3A_218, %mul3A_223 : i32
      %mul3A_225 = arith.constant 64 : i32
      %mul3A_226 = arith.muli %add3A_222, %mul3A_225 : i32
      %dma_start3A_227 = tpu.memref_slice %arg6[%mul3A_226] : memref<32768xf32, #tpu.memory_space<vmem>> -> memref<64xf32, #tpu.memory_space<vmem>>
      %dma_start3A_228 = tpu.memref_slice %arg3[%mul3A_224] : memref<64000000xf32, #tpu.memory_space<hbm>> -> memref<64xf32, #tpu.memory_space<hbm>>
      %dma_start3A_229 = tpu.memref_slice %arg6[%mul3A_226] : memref<32768xf32, #tpu.memory_space<vmem>> -> memref<64xf32, #tpu.memory_space<vmem>>
      %dma_start3A_230 = tpu.memref_slice %arg3[%mul3A_224] : memref<64000000xf32, #tpu.memory_space<hbm>> -> memref<64xf32, #tpu.memory_space<hbm>>
      tpu.enqueue_dma source(%dma_start3A_230 : memref<64xf32, #tpu.memory_space<hbm>>) target(%dma_start3A_229 : memref<64xf32, #tpu.memory_space<vmem>>) target_semaphore(%arg7 : memref<!tpu.dma_semaphore, #tpu.memory_space<semaphore_mem>>)
      %slice3A_231 = vector.extract_strided_slice %get3A_23 {offsets = [15], sizes = [1], strides = [1]} : vector<16xi32> to vector<1xi32>
      %squeeze3A_232 = vector.extract %slice3A_231[0] : i32 from vector<1xi32>
      %mul3A_233 = arith.constant 16 : i32
      %mul3A_234 = arith.muli %scan3A_18, %mul3A_233 : i32
      %add3A_235 = arith.constant 15 : i32
      %add3A_236 = arith.addi %mul3A_234, %add3A_235 : i32
      %mul3A_237 = arith.constant 64 : i32
      %mul3A_238 = arith.muli %squeeze3A_232, %mul3A_237 : i32
      %mul3A_239 = arith.constant 64 : i32
      %mul3A_240 = arith.muli %add3A_236, %mul3A_239 : i32
      %dma_start3A_241 = tpu.memref_slice %arg6[%mul3A_240] : memref<32768xf32, #tpu.memory_space<vmem>> -> memref<64xf32, #tpu.memory_space<vmem>>
      %dma_start3A_242 = tpu.memref_slice %arg3[%mul3A_238] : memref<64000000xf32, #tpu.memory_space<hbm>> -> memref<64xf32, #tpu.memory_space<hbm>>
      %dma_start3A_243 = tpu.memref_slice %arg6[%mul3A_240] : memref<32768xf32, #tpu.memory_space<vmem>> -> memref<64xf32, #tpu.memory_space<vmem>>
      %dma_start3A_244 = tpu.memref_slice %arg3[%mul3A_238] : memref<64000000xf32, #tpu.memory_space<hbm>> -> memref<64xf32, #tpu.memory_space<hbm>>
      tpu.enqueue_dma source(%dma_start3A_244 : memref<64xf32, #tpu.memory_space<hbm>>) target(%dma_start3A_243 : memref<64xf32, #tpu.memory_space<vmem>>) target_semaphore(%arg7 : memref<!tpu.dma_semaphore, #tpu.memory_space<semaphore_mem>>)
      %scan3A_245 = arith.constant 0 : i32
      scf.yield %scan3A_245 : i32
    }
    %scan3A_8 = arith.constant 32 : i32
    %scan3A_9 = arith.constant 0 : i32
    %scan3A_10 = arith.constant 0 : i32
    %scan3A_11 = arith.constant 32 : i32
    %scan3A_12 = arith.addi %scan3A_10, %scan3A_11 : i32
    %scan3A_13 = arith.constant 1 : i32
    %scan3A_14 = scf.for %scan3A_18 = %scan3A_10 to %scan3A_12 step %scan3A_13 iter_args(%scan3A_19 = %scan3A_9) -> (i32)  : i32 {
      %dma_wait3A = arith.constant 0 : i32
      %dma_wait3A_20 = tpu.memref_slice %arg6[%dma_wait3A] : memref<32768xf32, #tpu.memory_space<vmem>> -> memref<64xf32, #tpu.memory_space<vmem>>
      %dma_wait3A_21 = arith.constant 0 : i32
      %dma_wait3A_22 = tpu.memref_slice %arg3[%dma_wait3A_21] : memref<64000000xf32, #tpu.memory_space<hbm>> -> memref<64xf32, #tpu.memory_space<hbm>>
      %dma_wait3A_23 = arith.constant 0 : i32
      %dma_wait3A_24 = tpu.memref_slice %arg6[%dma_wait3A_23] : memref<32768xf32, #tpu.memory_space<vmem>> -> memref<64xf32, #tpu.memory_space<vmem>>
      %dma_wait3A_25 = arith.constant 0 : i32
      %dma_wait3A_26 = tpu.memref_slice %arg3[%dma_wait3A_25] : memref<64000000xf32, #tpu.memory_space<hbm>> -> memref<64xf32, #tpu.memory_space<hbm>>
      tpu.wait_dma2 semaphore(%arg7 : memref<!tpu.dma_semaphore, #tpu.memory_space<semaphore_mem>>) src(%dma_wait3A_26 : memref<64xf32, #tpu.memory_space<hbm>>) dst(%dma_wait3A_24 : memref<64xf32, #tpu.memory_space<vmem>>)
      %dma_wait3A_27 = arith.constant 0 : i32
      %dma_wait3A_28 = tpu.memref_slice %arg6[%dma_wait3A_27] : memref<32768xf32, #tpu.memory_space<vmem>> -> memref<64xf32, #tpu.memory_space<vmem>>
      %dma_wait3A_29 = arith.constant 0 : i32
      %dma_wait3A_30 = tpu.memref_slice %arg3[%dma_wait3A_29] : memref<64000000xf32, #tpu.memory_space<hbm>> -> memref<64xf32, #tpu.memory_space<hbm>>
      %dma_wait3A_31 = arith.constant 0 : i32
      %dma_wait3A_32 = tpu.memref_slice %arg6[%dma_wait3A_31] : memref<32768xf32, #tpu.memory_space<vmem>> -> memref<64xf32, #tpu.memory_space<vmem>>
      %dma_wait3A_33 = arith.constant 0 : i32
      %dma_wait3A_34 = tpu.memref_slice %arg3[%dma_wait3A_33] : memref<64000000xf32, #tpu.memory_space<hbm>> -> memref<64xf32, #tpu.memory_space<hbm>>
      tpu.wait_dma2 semaphore(%arg7 : memref<!tpu.dma_semaphore, #tpu.memory_space<semaphore_mem>>) src(%dma_wait3A_34 : memref<64xf32, #tpu.memory_space<hbm>>) dst(%dma_wait3A_32 : memref<64xf32, #tpu.memory_space<vmem>>)
      %dma_wait3A_35 = arith.constant 0 : i32
      %dma_wait3A_36 = tpu.memref_slice %arg6[%dma_wait3A_35] : memref<32768xf32, #tpu.memory_space<vmem>> -> memref<64xf32, #tpu.memory_space<vmem>>
      %dma_wait3A_37 = arith.constant 0 : i32
      %dma_wait3A_38 = tpu.memref_slice %arg3[%dma_wait3A_37] : memref<64000000xf32, #tpu.memory_space<hbm>> -> memref<64xf32, #tpu.memory_space<hbm>>
      %dma_wait3A_39 = arith.constant 0 : i32
      %dma_wait3A_40 = tpu.memref_slice %arg6[%dma_wait3A_39] : memref<32768xf32, #tpu.memory_space<vmem>> -> memref<64xf32, #tpu.memory_space<vmem>>
      %dma_wait3A_41 = arith.constant 0 : i32
      %dma_wait3A_42 = tpu.memref_slice %arg3[%dma_wait3A_41] : memref<64000000xf32, #tpu.memory_space<hbm>> -> memref<64xf32, #tpu.memory_space<hbm>>
      tpu.wait_dma2 semaphore(%arg7 : memref<!tpu.dma_semaphore, #tpu.memory_space<semaphore_mem>>) src(%dma_wait3A_42 : memref<64xf32, #tpu.memory_space<hbm>>) dst(%dma_wait3A_40 : memref<64xf32, #tpu.memory_space<vmem>>)
      %dma_wait3A_43 = arith.constant 0 : i32
      %dma_wait3A_44 = tpu.memref_slice %arg6[%dma_wait3A_43] : memref<32768xf32, #tpu.memory_space<vmem>> -> memref<64xf32, #tpu.memory_space<vmem>>
      %dma_wait3A_45 = arith.constant 0 : i32
      %dma_wait3A_46 = tpu.memref_slice %arg3[%dma_wait3A_45] : memref<64000000xf32, #tpu.memory_space<hbm>> -> memref<64xf32, #tpu.memory_space<hbm>>
      %dma_wait3A_47 = arith.constant 0 : i32
      %dma_wait3A_48 = tpu.memref_slice %arg6[%dma_wait3A_47] : memref<32768xf32, #tpu.memory_space<vmem>> -> memref<64xf32, #tpu.memory_space<vmem>>
      %dma_wait3A_49 = arith.constant 0 : i32
      %dma_wait3A_50 = tpu.memref_slice %arg3[%dma_wait3A_49] : memref<64000000xf32, #tpu.memory_space<hbm>> -> memref<64xf32, #tpu.memory_space<hbm>>
      tpu.wait_dma2 semaphore(%arg7 : memref<!tpu.dma_semaphore, #tpu.memory_space<semaphore_mem>>) src(%dma_wait3A_50 : memref<64xf32, #tpu.memory_space<hbm>>) dst(%dma_wait3A_48 : memref<64xf32, #tpu.memory_space<vmem>>)
      %dma_wait3A_51 = arith.constant 0 : i32
      %dma_wait3A_52 = tpu.memref_slice %arg6[%dma_wait3A_51] : memref<32768xf32, #tpu.memory_space<vmem>> -> memref<64xf32, #tpu.memory_space<vmem>>
      %dma_wait3A_53 = arith.constant 0 : i32
      %dma_wait3A_54 = tpu.memref_slice %arg3[%dma_wait3A_53] : memref<64000000xf32, #tpu.memory_space<hbm>> -> memref<64xf32, #tpu.memory_space<hbm>>
      %dma_wait3A_55 = arith.constant 0 : i32
      %dma_wait3A_56 = tpu.memref_slice %arg6[%dma_wait3A_55] : memref<32768xf32, #tpu.memory_space<vmem>> -> memref<64xf32, #tpu.memory_space<vmem>>
      %dma_wait3A_57 = arith.constant 0 : i32
      %dma_wait3A_58 = tpu.memref_slice %arg3[%dma_wait3A_57] : memref<64000000xf32, #tpu.memory_space<hbm>> -> memref<64xf32, #tpu.memory_space<hbm>>
      tpu.wait_dma2 semaphore(%arg7 : memref<!tpu.dma_semaphore, #tpu.memory_space<semaphore_mem>>) src(%dma_wait3A_58 : memref<64xf32, #tpu.memory_space<hbm>>) dst(%dma_wait3A_56 : memref<64xf32, #tpu.memory_space<vmem>>)
      %dma_wait3A_59 = arith.constant 0 : i32
      %dma_wait3A_60 = tpu.memref_slice %arg6[%dma_wait3A_59] : memref<32768xf32, #tpu.memory_space<vmem>> -> memref<64xf32, #tpu.memory_space<vmem>>
      %dma_wait3A_61 = arith.constant 0 : i32
      %dma_wait3A_62 = tpu.memref_slice %arg3[%dma_wait3A_61] : memref<64000000xf32, #tpu.memory_space<hbm>> -> memref<64xf32, #tpu.memory_space<hbm>>
      %dma_wait3A_63 = arith.constant 0 : i32
      %dma_wait3A_64 = tpu.memref_slice %arg6[%dma_wait3A_63] : memref<32768xf32, #tpu.memory_space<vmem>> -> memref<64xf32, #tpu.memory_space<vmem>>
      %dma_wait3A_65 = arith.constant 0 : i32
      %dma_wait3A_66 = tpu.memref_slice %arg3[%dma_wait3A_65] : memref<64000000xf32, #tpu.memory_space<hbm>> -> memref<64xf32, #tpu.memory_space<hbm>>
      tpu.wait_dma2 semaphore(%arg7 : memref<!tpu.dma_semaphore, #tpu.memory_space<semaphore_mem>>) src(%dma_wait3A_66 : memref<64xf32, #tpu.memory_space<hbm>>) dst(%dma_wait3A_64 : memref<64xf32, #tpu.memory_space<vmem>>)
      %dma_wait3A_67 = arith.constant 0 : i32
      %dma_wait3A_68 = tpu.memref_slice %arg6[%dma_wait3A_67] : memref<32768xf32, #tpu.memory_space<vmem>> -> memref<64xf32, #tpu.memory_space<vmem>>
      %dma_wait3A_69 = arith.constant 0 : i32
      %dma_wait3A_70 = tpu.memref_slice %arg3[%dma_wait3A_69] : memref<64000000xf32, #tpu.memory_space<hbm>> -> memref<64xf32, #tpu.memory_space<hbm>>
      %dma_wait3A_71 = arith.constant 0 : i32
      %dma_wait3A_72 = tpu.memref_slice %arg6[%dma_wait3A_71] : memref<32768xf32, #tpu.memory_space<vmem>> -> memref<64xf32, #tpu.memory_space<vmem>>
      %dma_wait3A_73 = arith.constant 0 : i32
      %dma_wait3A_74 = tpu.memref_slice %arg3[%dma_wait3A_73] : memref<64000000xf32, #tpu.memory_space<hbm>> -> memref<64xf32, #tpu.memory_space<hbm>>
      tpu.wait_dma2 semaphore(%arg7 : memref<!tpu.dma_semaphore, #tpu.memory_space<semaphore_mem>>) src(%dma_wait3A_74 : memref<64xf32, #tpu.memory_space<hbm>>) dst(%dma_wait3A_72 : memref<64xf32, #tpu.memory_space<vmem>>)
      %dma_wait3A_75 = arith.constant 0 : i32
      %dma_wait3A_76 = tpu.memref_slice %arg6[%dma_wait3A_75] : memref<32768xf32, #tpu.memory_space<vmem>> -> memref<64xf32, #tpu.memory_space<vmem>>
      %dma_wait3A_77 = arith.constant 0 : i32
      %dma_wait3A_78 = tpu.memref_slice %arg3[%dma_wait3A_77] : memref<64000000xf32, #tpu.memory_space<hbm>> -> memref<64xf32, #tpu.memory_space<hbm>>
      %dma_wait3A_79 = arith.constant 0 : i32
      %dma_wait3A_80 = tpu.memref_slice %arg6[%dma_wait3A_79] : memref<32768xf32, #tpu.memory_space<vmem>> -> memref<64xf32, #tpu.memory_space<vmem>>
      %dma_wait3A_81 = arith.constant 0 : i32
      %dma_wait3A_82 = tpu.memref_slice %arg3[%dma_wait3A_81] : memref<64000000xf32, #tpu.memory_space<hbm>> -> memref<64xf32, #tpu.memory_space<hbm>>
      tpu.wait_dma2 semaphore(%arg7 : memref<!tpu.dma_semaphore, #tpu.memory_space<semaphore_mem>>) src(%dma_wait3A_82 : memref<64xf32, #tpu.memory_space<hbm>>) dst(%dma_wait3A_80 : memref<64xf32, #tpu.memory_space<vmem>>)
      %dma_wait3A_83 = arith.constant 0 : i32
      %dma_wait3A_84 = tpu.memref_slice %arg6[%dma_wait3A_83] : memref<32768xf32, #tpu.memory_space<vmem>> -> memref<64xf32, #tpu.memory_space<vmem>>
      %dma_wait3A_85 = arith.constant 0 : i32
      %dma_wait3A_86 = tpu.memref_slice %arg3[%dma_wait3A_85] : memref<64000000xf32, #tpu.memory_space<hbm>> -> memref<64xf32, #tpu.memory_space<hbm>>
      %dma_wait3A_87 = arith.constant 0 : i32
      %dma_wait3A_88 = tpu.memref_slice %arg6[%dma_wait3A_87] : memref<32768xf32, #tpu.memory_space<vmem>> -> memref<64xf32, #tpu.memory_space<vmem>>
      %dma_wait3A_89 = arith.constant 0 : i32
      %dma_wait3A_90 = tpu.memref_slice %arg3[%dma_wait3A_89] : memref<64000000xf32, #tpu.memory_space<hbm>> -> memref<64xf32, #tpu.memory_space<hbm>>
      tpu.wait_dma2 semaphore(%arg7 : memref<!tpu.dma_semaphore, #tpu.memory_space<semaphore_mem>>) src(%dma_wait3A_90 : memref<64xf32, #tpu.memory_space<hbm>>) dst(%dma_wait3A_88 : memref<64xf32, #tpu.memory_space<vmem>>)
      %dma_wait3A_91 = arith.constant 0 : i32
      %dma_wait3A_92 = tpu.memref_slice %arg6[%dma_wait3A_91] : memref<32768xf32, #tpu.memory_space<vmem>> -> memref<64xf32, #tpu.memory_space<vmem>>
      %dma_wait3A_93 = arith.constant 0 : i32
      %dma_wait3A_94 = tpu.memref_slice %arg3[%dma_wait3A_93] : memref<64000000xf32, #tpu.memory_space<hbm>> -> memref<64xf32, #tpu.memory_space<hbm>>
      %dma_wait3A_95 = arith.constant 0 : i32
      %dma_wait3A_96 = tpu.memref_slice %arg6[%dma_wait3A_95] : memref<32768xf32, #tpu.memory_space<vmem>> -> memref<64xf32, #tpu.memory_space<vmem>>
      %dma_wait3A_97 = arith.constant 0 : i32
      %dma_wait3A_98 = tpu.memref_slice %arg3[%dma_wait3A_97] : memref<64000000xf32, #tpu.memory_space<hbm>> -> memref<64xf32, #tpu.memory_space<hbm>>
      tpu.wait_dma2 semaphore(%arg7 : memref<!tpu.dma_semaphore, #tpu.memory_space<semaphore_mem>>) src(%dma_wait3A_98 : memref<64xf32, #tpu.memory_space<hbm>>) dst(%dma_wait3A_96 : memref<64xf32, #tpu.memory_space<vmem>>)
      %dma_wait3A_99 = arith.constant 0 : i32
      %dma_wait3A_100 = tpu.memref_slice %arg6[%dma_wait3A_99] : memref<32768xf32, #tpu.memory_space<vmem>> -> memref<64xf32, #tpu.memory_space<vmem>>
      %dma_wait3A_101 = arith.constant 0 : i32
      %dma_wait3A_102 = tpu.memref_slice %arg3[%dma_wait3A_101] : memref<64000000xf32, #tpu.memory_space<hbm>> -> memref<64xf32, #tpu.memory_space<hbm>>
      %dma_wait3A_103 = arith.constant 0 : i32
      %dma_wait3A_104 = tpu.memref_slice %arg6[%dma_wait3A_103] : memref<32768xf32, #tpu.memory_space<vmem>> -> memref<64xf32, #tpu.memory_space<vmem>>
      %dma_wait3A_105 = arith.constant 0 : i32
      %dma_wait3A_106 = tpu.memref_slice %arg3[%dma_wait3A_105] : memref<64000000xf32, #tpu.memory_space<hbm>> -> memref<64xf32, #tpu.memory_space<hbm>>
      tpu.wait_dma2 semaphore(%arg7 : memref<!tpu.dma_semaphore, #tpu.memory_space<semaphore_mem>>) src(%dma_wait3A_106 : memref<64xf32, #tpu.memory_space<hbm>>) dst(%dma_wait3A_104 : memref<64xf32, #tpu.memory_space<vmem>>)
      %dma_wait3A_107 = arith.constant 0 : i32
      %dma_wait3A_108 = tpu.memref_slice %arg6[%dma_wait3A_107] : memref<32768xf32, #tpu.memory_space<vmem>> -> memref<64xf32, #tpu.memory_space<vmem>>
      %dma_wait3A_109 = arith.constant 0 : i32
      %dma_wait3A_110 = tpu.memref_slice %arg3[%dma_wait3A_109] : memref<64000000xf32, #tpu.memory_space<hbm>> -> memref<64xf32, #tpu.memory_space<hbm>>
      %dma_wait3A_111 = arith.constant 0 : i32
      %dma_wait3A_112 = tpu.memref_slice %arg6[%dma_wait3A_111] : memref<32768xf32, #tpu.memory_space<vmem>> -> memref<64xf32, #tpu.memory_space<vmem>>
      %dma_wait3A_113 = arith.constant 0 : i32
      %dma_wait3A_114 = tpu.memref_slice %arg3[%dma_wait3A_113] : memref<64000000xf32, #tpu.memory_space<hbm>> -> memref<64xf32, #tpu.memory_space<hbm>>
      tpu.wait_dma2 semaphore(%arg7 : memref<!tpu.dma_semaphore, #tpu.memory_space<semaphore_mem>>) src(%dma_wait3A_114 : memref<64xf32, #tpu.memory_space<hbm>>) dst(%dma_wait3A_112 : memref<64xf32, #tpu.memory_space<vmem>>)
      %dma_wait3A_115 = arith.constant 0 : i32
      %dma_wait3A_116 = tpu.memref_slice %arg6[%dma_wait3A_115] : memref<32768xf32, #tpu.memory_space<vmem>> -> memref<64xf32, #tpu.memory_space<vmem>>
      %dma_wait3A_117 = arith.constant 0 : i32
      %dma_wait3A_118 = tpu.memref_slice %arg3[%dma_wait3A_117] : memref<64000000xf32, #tpu.memory_space<hbm>> -> memref<64xf32, #tpu.memory_space<hbm>>
      %dma_wait3A_119 = arith.constant 0 : i32
      %dma_wait3A_120 = tpu.memref_slice %arg6[%dma_wait3A_119] : memref<32768xf32, #tpu.memory_space<vmem>> -> memref<64xf32, #tpu.memory_space<vmem>>
      %dma_wait3A_121 = arith.constant 0 : i32
      %dma_wait3A_122 = tpu.memref_slice %arg3[%dma_wait3A_121] : memref<64000000xf32, #tpu.memory_space<hbm>> -> memref<64xf32, #tpu.memory_space<hbm>>
      tpu.wait_dma2 semaphore(%arg7 : memref<!tpu.dma_semaphore, #tpu.memory_space<semaphore_mem>>) src(%dma_wait3A_122 : memref<64xf32, #tpu.memory_space<hbm>>) dst(%dma_wait3A_120 : memref<64xf32, #tpu.memory_space<vmem>>)
      %dma_wait3A_123 = arith.constant 0 : i32
      %dma_wait3A_124 = tpu.memref_slice %arg6[%dma_wait3A_123] : memref<32768xf32, #tpu.memory_space<vmem>> -> memref<64xf32, #tpu.memory_space<vmem>>
      %dma_wait3A_125 = arith.constant 0 : i32
      %dma_wait3A_126 = tpu.memref_slice %arg3[%dma_wait3A_125] : memref<64000000xf32, #tpu.memory_space<hbm>> -> memref<64xf32, #tpu.memory_space<hbm>>
      %dma_wait3A_127 = arith.constant 0 : i32
      %dma_wait3A_128 = tpu.memref_slice %arg6[%dma_wait3A_127] : memref<32768xf32, #tpu.memory_space<vmem>> -> memref<64xf32, #tpu.memory_space<vmem>>
      %dma_wait3A_129 = arith.constant 0 : i32
      %dma_wait3A_130 = tpu.memref_slice %arg3[%dma_wait3A_129] : memref<64000000xf32, #tpu.memory_space<hbm>> -> memref<64xf32, #tpu.memory_space<hbm>>
      tpu.wait_dma2 semaphore(%arg7 : memref<!tpu.dma_semaphore, #tpu.memory_space<semaphore_mem>>) src(%dma_wait3A_130 : memref<64xf32, #tpu.memory_space<hbm>>) dst(%dma_wait3A_128 : memref<64xf32, #tpu.memory_space<vmem>>)
      %dma_wait3A_131 = arith.constant 0 : i32
      %dma_wait3A_132 = tpu.memref_slice %arg6[%dma_wait3A_131] : memref<32768xf32, #tpu.memory_space<vmem>> -> memref<64xf32, #tpu.memory_space<vmem>>
      %dma_wait3A_133 = arith.constant 0 : i32
      %dma_wait3A_134 = tpu.memref_slice %arg3[%dma_wait3A_133] : memref<64000000xf32, #tpu.memory_space<hbm>> -> memref<64xf32, #tpu.memory_space<hbm>>
      %dma_wait3A_135 = arith.constant 0 : i32
      %dma_wait3A_136 = tpu.memref_slice %arg6[%dma_wait3A_135] : memref<32768xf32, #tpu.memory_space<vmem>> -> memref<64xf32, #tpu.memory_space<vmem>>
      %dma_wait3A_137 = arith.constant 0 : i32
      %dma_wait3A_138 = tpu.memref_slice %arg3[%dma_wait3A_137] : memref<64000000xf32, #tpu.memory_space<hbm>> -> memref<64xf32, #tpu.memory_space<hbm>>
      tpu.wait_dma2 semaphore(%arg7 : memref<!tpu.dma_semaphore, #tpu.memory_space<semaphore_mem>>) src(%dma_wait3A_138 : memref<64xf32, #tpu.memory_space<hbm>>) dst(%dma_wait3A_136 : memref<64xf32, #tpu.memory_space<vmem>>)
      %dma_wait3A_139 = arith.constant 0 : i32
      %dma_wait3A_140 = tpu.memref_slice %arg6[%dma_wait3A_139] : memref<32768xf32, #tpu.memory_space<vmem>> -> memref<64xf32, #tpu.memory_space<vmem>>
      %dma_wait3A_141 = arith.constant 0 : i32
      %dma_wait3A_142 = tpu.memref_slice %arg3[%dma_wait3A_141] : memref<64000000xf32, #tpu.memory_space<hbm>> -> memref<64xf32, #tpu.memory_space<hbm>>
      %dma_wait3A_143 = arith.constant 0 : i32
      %dma_wait3A_144 = tpu.memref_slice %arg6[%dma_wait3A_143] : memref<32768xf32, #tpu.memory_space<vmem>> -> memref<64xf32, #tpu.memory_space<vmem>>
      %dma_wait3A_145 = arith.constant 0 : i32
      %dma_wait3A_146 = tpu.memref_slice %arg3[%dma_wait3A_145] : memref<64000000xf32, #tpu.memory_space<hbm>> -> memref<64xf32, #tpu.memory_space<hbm>>
      tpu.wait_dma2 semaphore(%arg7 : memref<!tpu.dma_semaphore, #tpu.memory_space<semaphore_mem>>) src(%dma_wait3A_146 : memref<64xf32, #tpu.memory_space<hbm>>) dst(%dma_wait3A_144 : memref<64xf32, #tpu.memory_space<vmem>>)
      %scan3A_147 = arith.constant 0 : i32
      scf.yield %scan3A_147 : i32
    }
    %scan3A_15 = arith.constant 32 : i32
    %mul3A_16 = arith.constant 64 : i32
    %mul3A_17 = arith.muli %mul3A_2, %mul3A_16 : i32
    "tpu.region"() ({
      %run_scoped3A = tpu.sem_alloc : memref<!tpu.dma_semaphore, #tpu.memory_space<semaphore_mem>>
      %dma_start3A = tpu.memref_slice %arg4[%mul3A_17] : memref<1048576xf32, #tpu.memory_space<hbm>> -> memref<32768xf32, #tpu.memory_space<hbm>>
      %dma_start3A_18 = tpu.memref_slice %arg4[%mul3A_17] : memref<1048576xf32, #tpu.memory_space<hbm>> -> memref<32768xf32, #tpu.memory_space<hbm>>
      tpu.enqueue_dma source(%arg6 : memref<32768xf32, #tpu.memory_space<vmem>>) target(%dma_start3A_18 : memref<32768xf32, #tpu.memory_space<hbm>>) target_semaphore(%run_scoped3A : memref<!tpu.dma_semaphore, #tpu.memory_space<semaphore_mem>>)
      %dma_wait3A = tpu.memref_slice %arg4[%mul3A_17] : memref<1048576xf32, #tpu.memory_space<hbm>> -> memref<32768xf32, #tpu.memory_space<hbm>>
      %dma_wait3A_19 = tpu.memref_slice %arg4[%mul3A_17] : memref<1048576xf32, #tpu.memory_space<hbm>> -> memref<32768xf32, #tpu.memory_space<hbm>>
      tpu.wait_dma2 semaphore(%run_scoped3A : memref<!tpu.dma_semaphore, #tpu.memory_space<semaphore_mem>>) src(%arg6 : memref<32768xf32, #tpu.memory_space<vmem>>) dst(%dma_wait3A_19 : memref<32768xf32, #tpu.memory_space<hbm>>)
      tpu.yield
    }) : () -> ()
    return
  }
}

</mosaic_0001>

<sc_bundles>
// kernel: kernel.3.cloned.1.call-start
scs
__scs_entry_jumppad:
0x0: {  	(pc) =	sbr.rel $0x88, $3  }
0x1: {  	(tag) =	ssettag $0x0;
	lr =	simm.s32 $0x1  }
0x2: {  	[smem:$0x3F9F] =	sst lr;
	_ =	strace $0xD0000000  }
0x3: {  	_ = 	snop  }
0x4: {  	_ = 	snop  }
0x5: {  	_ = 	snop  }
0x6: {  	_ = 	snop  }
0x7: {  	_ = 	snop  }
__scs_overlays_trampoline_lowered:
0x8: {  	[smem:$0x3FAE] =	sst s0  }
0x9: {  	[smem:$0x3FAF] =	sst s1  }
0xa: {  	[smem:$0x3FB0] =	sst s2  }
0xb: {  	[smem:$0x3FB1] =	sst s3  }
0xc: {  	[smem:$0x3FB2] =	sst s4  }
0xd: {  	[smem:$0x3FB3] =	sst s5  }
0xe: {  	[smem:$0x3FB4] =	sst s6  }
0xf: {  	[smem:$0x3FB5] =	sst s7  }
0x10: {  	[smem:$0x3FB6] =	sst s8  }
0x11: {  	[smem:$0x3FB7] =	sst s9;
	s0 =	simm.s32 @!p0 $0x0  }
0x12: {  	s1 =	sld [smem:$0x3F9D];
	s0 =	simm.s32 @p0 $0x1  }
0x13: {  	[smem:$0x3FB8] =	sst s0;
	s0 =	simm.s32 @!p1 $0x0  }
0x14: {  	s2 =	sld [smem:$0x3F9C];
	s0 =	simm.s32 @p1 $0x1  }
0x15: {  	[smem:$0x3FB9] =	sst s0;
	s0 =	simm.s32 @!p2 $0x0  }
0x16: {  	s3 =	sld [smem:$0x3FDB];
	s0 =	simm.s32 @p2 $0x1  }
0x17: {  	s4 =	simm.s32 $0x1BF5;
	[smem:$0x3FBB] =	sst s0  }
0x18: {  	s0 =	sld [smem:$0x3F9E];
	_ =	swait.ge [sflag:s4], $0x0  }
0x19: {  	s7 =	sld [smem:$0x3F9F]  }
0x1a: {  	s8 =	sadd.s32 $0xFFFFE003, lr  }
0x1b: {  	s9 =	sadd.s32 $0xFFFFFEF7, lr;
	s5 =	simm.s32 $0xFFFFFFFF;
	p2 =	slt.u32 s8, $0xFFFFF086  }
0x1c: {  	p1 =	slt.u32 s9, $0xF7A;
	s5 =	simm.s32 @!p2 $0x0  }
0x1d: {  	s5 =	simm.s32 @p1 $0x1;
	p0 =	seq.s32 s7, s2  }
0x1e: {  	s7 =	smul.u32 @!p0 $0xF7A, s2;
	p2 =	seq.s32 @!p0 s5, $0x0  }
0x1f: {  	s9 =	smul.u32 $0xF7A, s1;
	s8 =	simm.s32 @!p0 $0x1BF5;
	p2 =	por !p2, p0  }
0x20: {  	[sflag:s8] =	ssyncset.s32 @!p0 $0xFFFFF086;
	s6 =	sadd.s32 @!p0 s3, s7;
	s7 =	simm.s32 @!p0 $0x108  }
0x21: {  	s3 =	sadd.s32 s3, s9;
	s6 =	sadd.s32 @!p0 $0x88, s6;
	s7 =	simm.s32 @p2 $0x1082  }
0x22: {  	[simem:s7], [sflag:s8] =	dma.local @!p0 [hbm:s6], $0xF7A  }
0x23: {  	s9 =	sor.u32 $0xD0000000, s2;
	s6 =	simm.s32 $0x108;
	_ =	swait.ge @!p0 [sflag:s8], $0x0  }
0x24: {  	s3 =	sadd.s32 $0x88, s3;
	s6 =	simm.s32 @!p1 $0x1082;
	[sflag:s4] =	ssyncset.s32 $0xFFFFF086  }
0x25: {  	[simem:s6], [sflag:s4] =	dma.local [hbm:s3], $0xF7A  }
0x26: {  	[smem:$0x3F9F] =	sst s1;
	(tag) =	ssettag s2;
	_ =	strace s9  }
0x27: {  	s1 =	sld [smem:$0x3FAF]  }
0x28: {  	s2 =	sld [smem:$0x3FB0]  }
0x29: {  	s4 =	sld [smem:$0x3FB2]  }
0x2a: {  	p0 =	seq.s32 s5, $0x0;
	s5 =	sld [smem:$0x3FB3]  }
0x2b: {  	s6 =	sld [smem:$0x3FB4]  }
0x2c: {  	s7 =	sld [smem:$0x3FB5]  }
0x2d: {  	s3 =	simm.s32 $0x108;
	s8 =	sld [smem:$0x3FB6]  }
0x2e: {  	s3 =	simm.s32 @!p0 $0x1082;
	s9 =	sld [smem:$0x3FB7]  }
0x2f: {  	lr =	sadd.s32 s0, s3;
	s0 =	sld [smem:$0x3FAE]  }
0x30: {  	s3 =	sld [smem:$0x3FB1]  }
0x31: {  	[smem:$0x3FBA] =	sst s10  }
0x32: {  	s10 =	sld [smem:$0x3FB8];
	_ =	sdelay $0x3  }
0x33: {  	p0 =	seq.s32 s10, $0x1;
	s10 =	sld [smem:$0x3FBA];
	_ =	sdelay $0x3  }
0x34: {  	[smem:$0x3FBA] =	sst s10  }
0x35: {  	s10 =	sld [smem:$0x3FB9];
	_ =	sdelay $0x3  }
0x36: {  	p1 =	seq.s32 s10, $0x1;
	s10 =	sld [smem:$0x3FBA];
	_ =	sdelay $0x3  }
0x37: {  	[smem:$0x3FBA] =	sst s10  }
0x38: {  	s10 =	sld [smem:$0x3FBB]  }
0x39: {  	_ = 	snop;
	(pc) =	sbr.ind lr, $3  }
0x3a: {  	_ = 	snop  }
0x3b: {  	_ = 	snop  }
0x3c: {  	p2 =	seq.s32 s10, $0x1;
	s10 =	sld [smem:$0x3FBA]  }
0x3d: {  	_ =	shalt  }
0x3e: {  	_ =	shalt  }
0x3f: {  	_ =	shalt  }
0x40: {  	_ =	shalt  }
0x41: {  	_ =	shalt  }
0x42: {  	_ =	shalt  }
0x43: {  	_ =	shalt  }
0x44: {  	_ =	shalt  }
0x45: {  	_ =	shalt  }
0x46: {  	_ =	shalt  }
0x47: {  	_ =	shalt  }
0x48: {  	_ =	shalt  }
0x49: {  	_ =	shalt  }
0x4a: {  	_ =	shalt  }
0x4b: {  	_ =	shalt  }
0x4c: {  	_ =	shalt  }
0x4d: {  	_ =	shalt  }
0x4e: {  	_ =	shalt  }
0x4f: {  	_ =	shalt  }
0x50: {  	_ =	shalt  }
0x51: {  	_ =	shalt  }
0x52: {  	_ =	shalt  }
0x53: {  	_ =	shalt  }
0x54: {  	_ =	shalt  }
0x55: {  	_ =	shalt  }
0x56: {  	_ =	shalt  }
0x57: {  	_ =	shalt  }
0x58: {  	_ =	shalt  }
0x59: {  	_ =	shalt  }
0x5a: {  	_ =	shalt  }
0x5b: {  	_ =	shalt  }
0x5c: {  	_ =	shalt  }
0x5d: {  	_ =	shalt  }
0x5e: {  	_ =	shalt  }
0x5f: {  	_ =	shalt  }
0x60: {  	_ =	shalt  }
0x61: {  	_ =	shalt  }
0x62: {  	_ =	shalt  }
0x63: {  	_ =	shalt  }
0x64: {  	_ =	shalt  }
0x65: {  	_ =	shalt  }
0x66: {  	_ =	shalt  }
0x67: {  	_ =	shalt  }
0x68: {  	_ =	shalt  }
0x69: {  	_ =	shalt  }
0x6a: {  	_ =	shalt  }
0x6b: {  	_ =	shalt  }
0x6c: {  	_ =	shalt  }
0x6d: {  	_ =	shalt  }
0x6e: {  	_ =	shalt  }
0x6f: {  	_ =	shalt  }
0x70: {  	_ =	shalt  }
0x71: {  	_ =	shalt  }
0x72: {  	_ =	shalt  }
0x73: {  	_ =	shalt  }
0x74: {  	_ =	shalt  }
0x75: {  	_ =	shalt  }
0x76: {  	_ =	shalt  }
0x77: {  	_ =	shalt  }
0x78: {  	_ =	shalt  }
0x79: {  	_ =	shalt  }
0x7a: {  	_ =	shalt  }
0x7b: {  	_ =	shalt  }
0x7c: {  	_ =	shalt  }
0x7d: {  	_ =	shalt  }
0x7e: {  	_ =	shalt  }
0x7f: {  	_ =	shalt  }
0x80: {  	_ =	shalt  }
0x81: {  	_ =	shalt  }
0x82: {  	_ =	shalt  }
0x83: {  	_ =	shalt  }
0x84: {  	_ =	shalt  }
0x85: {  	_ =	shalt  }
0x86: {  	_ =	shalt  }
0x87: {  	_ =	shalt  }
.Lfunc_end0:
.L_simem_size_0:
called_computation_lowered:
.L_overlay_start_0:
0x88: {  	s2 =	sld [smem:$0x3FD9]  }
0x89: {  	s3 =	sld [smem:$0x3FFE];
	_ =	sdelay $0x1  }
0x8a: {  	s1 =	srdreg.scid  }
0x8b: {  	s0 =	sand.u32 $0x1, s1  }
0x8c: {  	s17 =	sshll.u32 s0, $0xA;
	s2 =	sadd.s32 s3, s2  }
0x8d: {  	s2 =	sadd.s32 s2, s17  }
0x8e: {  	[smem:$0x3FC6] =	sst s2  }
0x8f: {  	_ = 	snop  }
0x90: {  	s2 =	sld [smem:$0x3FC9]  }
0x91: {  	s18 =	sld [smem:$0x3FD0];
	(tm) =	ssettm $0x1  }
0x92: {  	s4 =	sld [smem:$0x3FFB];
	_ =	sdelay $0x3  }
0x93: {  	_ =	strace s4  }
0x94: {  	s4 =	sld [smem:$0x3FFC];
	_ =	sdelay $0x3  }
0x95: {  	_ =	strace s4  }
0x96: {  	s4 =	sld [smem:$0x3FFD];
	_ =	sdelay $0x3  }
0x97: {  	_ =	strace s4  }
0x98: {  	_ =	strace $0x8FFFFFFF  }
0x99: {  	s19 =	sld [smem:$0x3FDB];
	_ =	sdelay $0x1  }
0x9a: {  	s5 =	simm.s32 $_scs_section_size  }
0x9b: {  	s6 =	simm.s32 $_size__tile_overlayer_lowered;
	s7 =	simm.s32 $_tile_overlayer_lowered  }
0x9c: {  	s22 =	simm.s32 $0x1BFF;
	s21 =	sshll.u32 s7, $0x1;
	s4 =	sadd.s32 s5, s19  }
0x9d: {  	s8 =	simm.s32 $0x0;
	s20 =	sshll.u32 s6, $0x1;
	s6 =	sadd.s32 s21, s4  }
0x9e: {  	[timem:s8], [sflag:s22] =	dma.local [hbm:s6], s20  }
0x9f: {  	_ =	swait.ge [sflag:s22], s20  }
0xa0: {  	s5 =	ssub.s32 $0x0, s20;
	[sflag:s22] =	ssyncset.done $0x0  }
0xa1: {  	[sflag:s22] =	ssyncadd.s32 s5;
	_ =	sdelay $0x1  }
0xa2: {  	s23 =	simm.s32 $0x1B8B  }
0xa3: {  	_ =	swait.ge [sflag:s23], $0x1  }
0xa4: {  	[sflag:s23] =	ssyncset.done $0x0  }
0xa5: {  	s25 =	simm.s32 $0x1B8E;
	s24 =	sld [smem:$0x3FFE];
	[sflag:s23] =	ssyncadd.s32 $0xFFFFFFFF  }
0xa6: {  	s26 =	simm.s32 $execute0_lowered;
	[smem:$0x3FD2] =	sst s25  }
0xa7: {  	s6 =	sshll.u32 s26, $0x1;
	_ =	strace $0x80000046;
	[dreg:$0x1] =	wrdreg $0xFFFFFFFF  }
0xa8: {  	s28 =	simm.s32 $_size_execute0_lowered;
	s4 =	sadd.s32 s4, s6;
	[dreg:$0x0] =	wrdreg $0x0  }
0xa9: {  	s6 =	sshll.u32 s28, $0x1;
	[dreg:$0x2] =	wrdreg s4  }
0xaa: {  	[dreg:$0x3] =	wrdreg s6  }
0xab: {  	[dreg:$0x4] =	wrdreg $0xC0  }
0xac: {  	_ =	task [dreg:s8], $0x5FFFF  }
0xad: {  	[dreg:$0x1] =	wrdreg $0xFFFFFFFF  }
0xae: {  	[dreg:$0x0] =	wrdreg $0x60  }
0xaf: {  	[dreg:$0x2] =	wrdreg s2  }
0xb0: {  	[dreg:$0x3] =	wrdreg s24  }
0xb1: {  	[dreg:$0x4] =	wrdreg s18  }
0xb2: {  	[dreg:$0x5] =	wrdreg $0x9  }
0xb3: {  	_ =	task.clear_ibuf [dreg:s8], $0x6FFFF;
	_ =	strace $0x90000046  }
0xb4: {  	s29 =	simm.s32 $0x9;
	_ =	strace $0x80000048  }
0xb5: {  	_ =	swait.ge [sflag:s29], $0x1  }
0xb6: {  	[sflag:s29] =	ssyncadd.s32 $0xFFFFFFFF  }
0xb7: {  	_ =	strace $0x90000048  }
0xb8: {  	_ =	sfence  }
0xb9: {  	s30 =	sld [smem:$0x0];
	_ =	sdelay $0x2  }
0xba: {  	s31 =	sshll.u32 s1, $0xD;
	s1 =	sshrl.u32 s1, $0x2  }
0xbb: {  	s3 =	sand.u32 $0x4000, s31;
	s1 =	sadd.s32 s1, s30  }
0xbc: {  	s0 =	sor.u32 s3, s0;
	s1 =	sshll.u32 s1, $0x11  }
0xbd: {  	s0 =	sor.u32 s1, s0  }
0xbe: {  	s0 =	sadd.s32 $0x8F2B, s0  }
0xbf: {  	[sflag:s0] =	ssyncadd.remote.s32 $0x1  }
0xc0: {  	_ =	sfence.sel $0xFFFF  }
0xc1: {  	[dreg:$0x0] =	wrdreg $0xFFFFFFFF;
	(pc) =	sbr.abs _section_cstart, $3  }
0xc2: {  	[dreg:$0x1] =	wrdreg $0xFFFFFFFF  }
0xc3: {  	_ =	task.clear_ibuf [dreg:s8], $0x2FFFF;
	_ =	strace $0x9FFFFFFF  }
0xc4: {  	(tm) =	ssettm $0x7FFFFFFF  }
0xc5: {  	_ =	shalt  }
tec
execute0_lowered:
.L_overlay_start_1:
0x0: {  	(tag) =	ssettag $0x1  }
0x1: {  	s4 =	rddreg [dreg:$0x0]  }
0x2: {  	s3 =	rddreg [dreg:$0x1]  }
0x3: {  	s5 =	rddreg [dreg:$0x2]  }
0x4: {  	s0 =	rddreg [dreg:$0x3]  }
0x5: {  	s2 =	simm.s32 $0x0;
	s6 =	srdreg.scid;
	s1 =	stileid.u32  }
0x6: {  	s10 =	simm.s32 $0x0;
	[smem:$0x7FF] =	sst s2;
	s6 =	sand.u32 $0x1, s6  }
0x7: {  	s7 =	sshll.u32 s1, $0x1;
	s3 =	sadd.s32 $0xF42800, s3;
	s8 =	ssub.s32 $0x2, s6  }
0x8: {  	_ =	strace $0x80000047;
	s6 =	sor.u32 s6, s7;
	s31 =	sshrl.u32 s8, $0x1  }
0x9: {  	s9 =	sshll.u32 s6, $0x6;
	s6 =	sshll.u32 s6, $0xC;
	s7 =	ssub.s32 s8, s31  }
0xa: {  	s4 =	sadd.s32 s4, s9;
	s5 =	sadd.s32 s5, s6;
	s8 =	simm.s32 $0x1  }
0xb: {  	s9 =	simm.s32 $0x200;
	s6 =	smax.u32 s7, $0x1;
	s7 =	simm.s32 $0x2  }
.LBB2_1:
0xc: {  	[tilespmem:s2], [sflag:$0x2] =	stream.linear.gather [hbm4b:s4+s2], $0x200, $0x38;
	[tilespmem:$0x8200] =	vst v63  }
0xd: {  	_ =	swait.ge [sflag:s7], $0x200  }
0xe: {  	[sflag:s7] =	ssyncset.done $0x0  }
0xf: {  	[sflag:s7] =	ssyncadd.s32 $0xFFFFFE00  }
0x10: {  	v0 =	vld [tilespmem:s2+$0x0];
	_ =	sdelay $0x4  }
0x11: {  	v0 =	vshll.u32 v0, $0x3  }
0x12: {  	(v2sf) =	vpush v0, $0x0  }
0x13: {  	(v2sf) =	vpush v0, $0x1  }
0x14: {  	(v2sf) =	vpush v0, $0x2;
	_ =	sdelay $0x1  }
0x15: {  	(v2sf) =	vpush v0, $0x4;
	_ =	sdelay $0x1  }
0x16: {  	(v2sf) =	vpush v0, $0x3  }
0x17: {  	(v2sf) =	vpush v0, $0x5  }
0x18: {  	s12 =	simm.s32 $0x1000;
	s11 =	simm.s32 $0x0;
	s13 =	simm.s32 $0x0;
	(v2sf) =	vpush v0, $0x6  }
.LBB2_2:
0x19: {  	p0 =	sne.s32 s12, $0x1F000  }
0x1a: {  	s23 =	sadd.s32 $0x240, s11;
	s17 =	sadd.s32 $0x4C0, s11;
	s14 =	smov.u32 s12  }
0x1b: {  	s12 =	sadd.s32 $0x1000, s12;
	s20 =	sadd.s32 $0x3C0, s11;
	s15 =	sadd.s32 $0x500, s11;
	(v2sf) =	vpush v0, $0x7  }
0x1c: {  	s22 =	sadd.s32 $0x340, s11;
	s19 =	sadd.s32 $0x400, s11;
	s16 =	sadd.s32 $0x540, s11  }
0x1d: {  	s24 =	sadd.s32 $0x200, s11;
	s25 =	sadd.s32 $0x300, s11;
	(v2sf) =	vpush v0, $0x8  }
0x1e: {  	s26 =	sadd.s32 $0x380, s11;
	s13 =	sadd.s32 $0x10, s13  }
0x1f: {  	s28 =	sadd.s32 $0x280, s11;
	s18 =	sadd.s32 $0x480, s11;
	s21 =	spop (v2sf);
	(v2sf) =	vpush v0, $0x9  }
0x20: {  	s29 =	sand.u32 $0x1FFFFFF8, s21;
	s21 =	sadd.s32 $0x440, s11;
	s30 =	spop (v2sf)  }
0x21: {  	s29 =	sadd.s32 s3, s29;
	s30 =	sand.u32 $0x1FFFFFF8, s30;
	s31 =	spop (v2sf);
	(v2sf) =	vpush v0, $0xA  }
0x22: {  	[tilespmem:s24], [sflag:$0x1] =	stream.linear.gather [hbm4b:s29+s2], $0x40, $0x38;
	[tilespmem:$0x8200] =	vst v63  }
0x23: {  	s24 =	sadd.s32 s3, s30;
	s29 =	sadd.s32 $0x2C0, s11;
	s30 =	spop (v2sf);
	(v2sf) =	vpush v0, $0xB  }
0x24: {  	[tilespmem:s23], [sflag:$0x1] =	stream.linear.gather [hbm4b:s24+s2], $0x40, $0x38;
	[tilespmem:$0x8200] =	vst v63  }
0x25: {  	s23 =	sand.u32 $0x1FFFFFF8, s31;
	s24 =	sand.u32 $0x1FFFFFF8, s30;
	s30 =	spop (v2sf);
	(v2sf) =	vpush v0, $0xC  }
0x26: {  	s23 =	sadd.s32 s3, s23;
	s30 =	sand.u32 $0x1FFFFFF8, s30;
	s31 =	spop (v2sf)  }
0x27: {  	[tilespmem:s28], [sflag:$0x1] =	stream.linear.gather [hbm4b:s23+s2], $0x40, $0x38;
	(v2sf) =	vpush v0, $0xD;
	[tilespmem:$0x8200] =	vst v63  }
0x28: {  	s23 =	sadd.s32 s3, s30;
	s28 =	sand.u32 $0x1FFFFFF8, s31;
	s30 =	spop (v2sf)  }
0x29: {  	[tilespmem:s29], [sflag:$0x1] =	stream.linear.gather [hbm4b:s23+s2], $0x40, $0x38;
	(v2sf) =	vpush v0, $0xE;
	[tilespmem:$0x8200] =	vst v63  }
0x2a: {  	s23 =	sadd.s32 s3, s24;
	s24 =	sand.u32 $0x1FFFFFF8, s30;
	s29 =	spop (v2sf)  }
0x2b: {  	[tilespmem:s25], [sflag:$0x1] =	stream.linear.gather [hbm4b:s23+s2], $0x40, $0x38;
	(v2sf) =	vpush v0, $0xF;
	[tilespmem:$0x8200] =	vst v63  }
0x2c: {  	s23 =	sadd.s32 s3, s28;
	s25 =	sand.u32 $0x1FFFFFF8, s29;
	s28 =	spop (v2sf)  }
0x2d: {  	[tilespmem:s22], [sflag:$0x1] =	stream.linear.gather [hbm4b:s23+s2], $0x40, $0x38;
	[tilespmem:$0x8200] =	vst v63  }
0x2e: {  	s22 =	sadd.s32 s3, s24;
	s23 =	sand.u32 $0x1FFFFFF8, s28;
	s24 =	spop (v2sf)  }
0x2f: {  	[tilespmem:s26], [sflag:$0x1] =	stream.linear.gather [hbm4b:s22+s2], $0x40, $0x38;
	[tilespmem:$0x8200] =	vst v63  }
0x30: {  	s22 =	sadd.s32 s3, s25;
	s24 =	sand.u32 $0x1FFFFFF8, s24;
	s25 =	spop (v2sf)  }
0x31: {  	[tilespmem:s20], [sflag:$0x1] =	stream.linear.gather [hbm4b:s22+s2], $0x40, $0x38;
	[tilespmem:$0x8200] =	vst v63  }
0x32: {  	s20 =	sadd.s32 s3, s23;
	s22 =	sand.u32 $0x1FFFFFF8, s25;
	s23 =	spop (v2sf)  }
0x33: {  	[tilespmem:s19], [sflag:$0x1] =	stream.linear.gather [hbm4b:s20+s2], $0x40, $0x38;
	[tilespmem:$0x8200] =	vst v63  }
0x34: {  	s19 =	sadd.s32 s3, s24;
	s20 =	sand.u32 $0x1FFFFFF8, s23;
	s23 =	spop (v2sf)  }
0x35: {  	[tilespmem:s21], [sflag:$0x1] =	stream.linear.gather [hbm4b:s19+s2], $0x40, $0x38;
	[tilespmem:$0x8200] =	vst v63  }
0x36: {  	s19 =	sadd.s32 s3, s22;
	s21 =	sand.u32 $0x1FFFFFF8, s23;
	s22 =	spop (v2sf)  }
0x37: {  	[tilespmem:s18], [sflag:$0x1] =	stream.linear.gather [hbm4b:s19+s2], $0x40, $0x38;
	[tilespmem:$0x8200] =	vst v63  }
0x38: {  	s18 =	sadd.s32 s3, s20;
	s19 =	sand.u32 $0x1FFFFFF8, s22;
	s20 =	spop (v2sf)  }
0x39: {  	[tilespmem:s17], [sflag:$0x1] =	stream.linear.gather [hbm4b:s18+s2], $0x40, $0x38;
	[tilespmem:$0x8200] =	vst v63  }
0x3a: {  	s17 =	sadd.s32 s3, s21;
	s18 =	sand.u32 $0x1FFFFFF8, s20;
	s20 =	spop (v2sf)  }
0x3b: {  	[tilespmem:s15], [sflag:$0x1] =	stream.linear.gather [hbm4b:s17+s2], $0x40, $0x38;
	[tilespmem:$0x8200] =	vst v63  }
0x3c: {  	s15 =	sadd.s32 s3, s19;
	s17 =	sand.u32 $0x1FFFFFF8, s20  }
0x3d: {  	[tilespmem:s16], [sflag:$0x1] =	stream.linear.gather [hbm4b:s15+s2], $0x40, $0x38;
	[tilespmem:$0x8200] =	vst v63  }
0x3e: {  	s15 =	sadd.s32 $0x580, s11;
	s16 =	sadd.s32 s3, s18  }
0x3f: {  	[tilespmem:s15], [sflag:$0x1] =	stream.linear.gather [hbm4b:s16+s2], $0x40, $0x38;
	[tilespmem:$0x8200] =	vst v63  }
0x40: {  	s11 =	sadd.s32 $0x5C0, s11;
	s15 =	sadd.s32 s3, s17  }
0x41: {  	[tilespmem:s11], [sflag:$0x1] =	stream.linear.gather [hbm4b:s15+s2], $0x40, $0x38;
	[tilespmem:$0x8200] =	vst v63  }
0x42: {  	v0 =	vld [tilespmem:s13+$0x0];
	_ =	sdelay $0x4  }
0x43: {  	v0 =	vshll.u32 v0, $0x3  }
0x44: {  	(v2sf) =	vpush v0, $0x0  }
0x45: {  	(v2sf) =	vpush v0, $0x1  }
0x46: {  	(v2sf) =	vpush v0, $0x2;
	_ =	sdelay $0x1  }
0x47: {  	(v2sf) =	vpush v0, $0x4  }
.Ltmp0:
0x48: {  	(pc) =	sbr.rel @p0 .LBB2_2-.Ltmp0, $3  }
0x49: {  	(v2sf) =	vpush v0, $0x3  }
0x4a: {  	(v2sf) =	vpush v0, $0x5;
	_ =	sdelay $0x1  }
0x4b: {  	s11 =	sshra.s32 s14, $0x2;
	(v2sf) =	vpush v0, $0x6  }
0x4c: {  	_ =	sdelay $0x1  }
0x4d: {  	s15 =	sadd.s32 $0x240, s11;
	s14 =	sadd.s32 $0x4C0, s11  }
0x4e: {  	s16 =	sadd.s32 $0x3C0, s11;
	s12 =	sadd.s32 $0x500, s11;
	(v2sf) =	vpush v0, $0x7;
	s17 =	sadd.s32 $0x340, s11  }
0x4f: {  	s18 =	sadd.s32 $0x400, s11;
	s13 =	sadd.s32 $0x540, s11;
	s19 =	sadd.s32 $0x200, s11  }
0x50: {  	s20 =	sadd.s32 $0x300, s11;
	s21 =	sadd.s32 $0x380, s11;
	(v2sf) =	vpush v0, $0x8;
	s22 =	spop (v2sf)  }
0x51: {  	s23 =	sadd.s32 $0x280, s11;
	s22 =	sand.u32 $0x1FFFFFF8, s22;
	s24 =	spop (v2sf)  }
0x52: {  	(v2sf) =	vpush v0, $0x9;
	s22 =	sadd.s32 s3, s22;
	s24 =	sand.u32 $0x1FFFFFF8, s24;
	s25 =	spop (v2sf)  }
0x53: {  	[tilespmem:s19], [sflag:$0x1] =	stream.linear.gather [hbm4b:s22+s2], $0x40, $0x38;
	[tilespmem:$0x8200] =	vst v63  }
0x54: {  	s26 =	sadd.s32 $0x2C0, s11;
	(v2sf) =	vpush v0, $0xA;
	s30 =	sadd.s32 s3, s24;
	s31 =	spop (v2sf)  }
0x55: {  	[tilespmem:s15], [sflag:$0x1] =	stream.linear.gather [hbm4b:s30+s2], $0x40, $0x38;
	[tilespmem:$0x8200] =	vst v63  }
0x56: {  	s19 =	sadd.s32 $0x480, s11;
	s28 =	sand.u32 $0x1FFFFFF8, s25;
	(v2sf) =	vpush v0, $0xB;
	s29 =	spop (v2sf)  }
0x57: {  	s22 =	sadd.s32 s3, s28;
	s15 =	sadd.s32 $0x440, s11;
	s25 =	sand.u32 $0x1FFFFFF8, s29  }
0x58: {  	(v2sf) =	vpush v0, $0xC;
	[tilespmem:s23], [sflag:$0x1] =	stream.linear.gather [hbm4b:s22+s2], $0x40, $0x38;
	[tilespmem:$0x8200] =	vst v63  }
0x59: {  	s30 =	sand.u32 $0x1FFFFFF8, s31;
	s31 =	spop (v2sf);
	s28 =	sadd.s32 s3, s25  }
0x5a: {  	(v2sf) =	vpush v0, $0xD;
	[tilespmem:s26], [sflag:$0x1] =	stream.linear.gather [hbm4b:s28+s2], $0x40, $0x38;
	[tilespmem:$0x8200] =	vst v63  }
0x5b: {  	s22 =	sadd.s32 s3, s30;
	s23 =	sand.u32 $0x1FFFFFF8, s31;
	s29 =	spop (v2sf)  }
0x5c: {  	(v2sf) =	vpush v0, $0xE;
	[tilespmem:s20], [sflag:$0x1] =	stream.linear.gather [hbm4b:s22+s2], $0x40, $0x38;
	[tilespmem:$0x8200] =	vst v63  }
0x5d: {  	s23 =	sadd.s32 s3, s23;
	s30 =	sand.u32 $0x1FFFFFF8, s29;
	s31 =	spop (v2sf)  }
0x5e: {  	(v2sf) =	vpush v0, $0xF;
	[tilespmem:s17], [sflag:$0x1] =	stream.linear.gather [hbm4b:s23+s2], $0x40, $0x38;
	[tilespmem:$0x8200] =	vst v63  }
0x5f: {  	s24 =	sand.u32 $0x1FFFFFF8, s31;
	s25 =	spop (v2sf);
	s20 =	sadd.s32 s3, s30  }
0x60: {  	[tilespmem:s21], [sflag:$0x1] =	stream.linear.gather [hbm4b:s20+s2], $0x40, $0x38;
	[tilespmem:$0x8200] =	vst v63  }
0x61: {  	s26 =	sand.u32 $0x1FFFFFF8, s25;
	s17 =	sadd.s32 s3, s24;
	s28 =	spop (v2sf)  }
0x62: {  	[tilespmem:s16], [sflag:$0x1] =	stream.linear.gather [hbm4b:s17+s2], $0x40, $0x38;
	[tilespmem:$0x8200] =	vst v63  }
0x63: {  	s20 =	sadd.s32 s3, s26;
	s29 =	sand.u32 $0x1FFFFFF8, s28;
	s30 =	spop (v2sf)  }
0x64: {  	[tilespmem:s18], [sflag:$0x1] =	stream.linear.gather [hbm4b:s20+s2], $0x40, $0x38;
	[tilespmem:$0x8200] =	vst v63  }
0x65: {  	s17 =	sand.u32 $0x1FFFFFF8, s30;
	s16 =	sadd.s32 s3, s29;
	s31 =	spop (v2sf)  }
0x66: {  	[tilespmem:s15], [sflag:$0x1] =	stream.linear.gather [hbm4b:s16+s2], $0x40, $0x38;
	[tilespmem:$0x8200] =	vst v63  }
0x67: {  	s17 =	sadd.s32 s3, s17;
	s20 =	sand.u32 $0x1FFFFFF8, s31;
	s21 =	spop (v2sf)  }
0x68: {  	[tilespmem:s19], [sflag:$0x1] =	stream.linear.gather [hbm4b:s17+s2], $0x40, $0x38;
	[tilespmem:$0x8200] =	vst v63  }
0x69: {  	s15 =	sadd.s32 s3, s20;
	s16 =	sand.u32 $0x1FFFFFF8, s21;
	s22 =	spop (v2sf)  }
0x6a: {  	[tilespmem:s14], [sflag:$0x1] =	stream.linear.gather [hbm4b:s15+s2], $0x40, $0x38;
	[tilespmem:$0x8200] =	vst v63  }
0x6b: {  	s23 =	sand.u32 $0x1FFFFFF8, s22;
	s16 =	sadd.s32 s3, s16;
	s24 =	spop (v2sf)  }
0x6c: {  	[tilespmem:s12], [sflag:$0x1] =	stream.linear.gather [hbm4b:s16+s2], $0x40, $0x38;
	[tilespmem:$0x8200] =	vst v63  }
0x6d: {  	s25 =	sand.u32 $0x1FFFFFF8, s24;
	s26 =	spop (v2sf);
	s14 =	sadd.s32 s3, s23  }
0x6e: {  	[tilespmem:s13], [sflag:$0x1] =	stream.linear.gather [hbm4b:s14+s2], $0x40, $0x38;
	[tilespmem:$0x8200] =	vst v63  }
0x6f: {  	s29 =	sadd.s32 $0x580, s11;
	s28 =	sand.u32 $0x1FFFFFF8, s26;
	s12 =	sadd.s32 s3, s25  }
0x70: {  	[tilespmem:s29], [sflag:$0x1] =	stream.linear.gather [hbm4b:s12+s2], $0x40, $0x38;
	[tilespmem:$0x8200] =	vst v63  }
0x71: {  	s30 =	sadd.s32 $0x5C0, s11;
	s31 =	sadd.s32 s3, s28  }
0x72: {  	[tilespmem:s30], [sflag:$0x1] =	stream.linear.gather [hbm4b:s31+s2], $0x40, $0x38;
	[tilespmem:$0x8200] =	vst v63  }
0x73: {  	_ =	swait.ge [sflag:s8], $0x40  }
0x74: {  	[sflag:s8] =	ssyncset.done $0x0  }
0x75: {  	[sflag:s8] =	ssyncadd.s32 $0xFFFFFFC0  }
0x76: {  	_ =	swait.ge [sflag:s8], $0x40  }
0x77: {  	[sflag:s8] =	ssyncset.done $0x0  }
0x78: {  	[sflag:s8] =	ssyncadd.s32 $0xFFFFFFC0  }
0x79: {  	_ =	swait.ge [sflag:s8], $0x40  }
0x7a: {  	[sflag:s8] =	ssyncset.done $0x0  }
0x7b: {  	[sflag:s8] =	ssyncadd.s32 $0xFFFFFFC0  }
0x7c: {  	_ =	swait.ge [sflag:s8], $0x40  }
0x7d: {  	[sflag:s8] =	ssyncset.done $0x0  }
0x7e: {  	[sflag:s8] =	ssyncadd.s32 $0xFFFFFFC0  }
0x7f: {  	_ =	swait.ge [sflag:s8], $0x40  }
0x80: {  	[sflag:s8] =	ssyncset.done $0x0  }
0x81: {  	[sflag:s8] =	ssyncadd.s32 $0xFFFFFFC0  }
0x82: {  	_ =	swait.ge [sflag:s8], $0x40  }
0x83: {  	[sflag:s8] =	ssyncset.done $0x0  }
0x84: {  	[sflag:s8] =	ssyncadd.s32 $0xFFFFFFC0  }
0x85: {  	_ =	swait.ge [sflag:s8], $0x40  }
0x86: {  	[sflag:s8] =	ssyncset.done $0x0  }
0x87: {  	[sflag:s8] =	ssyncadd.s32 $0xFFFFFFC0  }
0x88: {  	_ =	swait.ge [sflag:s8], $0x40  }
0x89: {  	[sflag:s8] =	ssyncset.done $0x0  }
0x8a: {  	[sflag:s8] =	ssyncadd.s32 $0xFFFFFFC0  }
0x8b: {  	_ =	swait.ge [sflag:s8], $0x40  }
0x8c: {  	[sflag:s8] =	ssyncset.done $0x0  }
0x8d: {  	[sflag:s8] =	ssyncadd.s32 $0xFFFFFFC0  }
0x8e: {  	_ =	swait.ge [sflag:s8], $0x40  }
0x8f: {  	[sflag:s8] =	ssyncset.done $0x0  }
0x90: {  	[sflag:s8] =	ssyncadd.s32 $0xFFFFFFC0  }
0x91: {  	_ =	swait.ge [sflag:s8], $0x40  }
0x92: {  	[sflag:s8] =	ssyncset.done $0x0  }
0x93: {  	[sflag:s8] =	ssyncadd.s32 $0xFFFFFFC0  }
0x94: {  	_ =	swait.ge [sflag:s8], $0x40  }
0x95: {  	[sflag:s8] =	ssyncset.done $0x0  }
0x96: {  	[sflag:s8] =	ssyncadd.s32 $0xFFFFFFC0  }
0x97: {  	_ =	swait.ge [sflag:s8], $0x40  }
0x98: {  	[sflag:s8] =	ssyncset.done $0x0  }
0x99: {  	[sflag:s8] =	ssyncadd.s32 $0xFFFFFFC0  }
0x9a: {  	_ =	swait.ge [sflag:s8], $0x40  }
0x9b: {  	[sflag:s8] =	ssyncset.done $0x0  }
0x9c: {  	[sflag:s8] =	ssyncadd.s32 $0xFFFFFFC0  }
0x9d: {  	_ =	swait.ge [sflag:s8], $0x40  }
0x9e: {  	[sflag:s8] =	ssyncset.done $0x0  }
0x9f: {  	[sflag:s8] =	ssyncadd.s32 $0xFFFFFFC0  }
0xa0: {  	_ =	swait.ge [sflag:s8], $0x40  }
0xa1: {  	s11 =	simm.s32 $0x1F;
	[sflag:s8] =	ssyncset.done $0x0  }
.LBB2_4:
0xa2: {  	p0 =	sne.s32 s11, $0x1;
	s11 =	sadd.s32 $0xFFFFFFFF, s11;
	[sflag:s8] =	ssyncadd.s32 $0xFFFFFFC0  }
0xa3: {  	_ =	swait.ge [sflag:s8], $0x40  }
0xa4: {  	[sflag:s8] =	ssyncset.done $0x0  }
0xa5: {  	[sflag:s8] =	ssyncadd.s32 $0xFFFFFFC0  }
0xa6: {  	_ =	swait.ge [sflag:s8], $0x40  }
0xa7: {  	[sflag:s8] =	ssyncset.done $0x0  }
0xa8: {  	[sflag:s8] =	ssyncadd.s32 $0xFFFFFFC0  }
0xa9: {  	_ =	swait.ge [sflag:s8], $0x40  }
0xaa: {  	[sflag:s8] =	ssyncset.done $0x0  }
0xab: {  	[sflag:s8] =	ssyncadd.s32 $0xFFFFFFC0  }
0xac: {  	_ =	swait.ge [sflag:s8], $0x40  }
0xad: {  	[sflag:s8] =	ssyncset.done $0x0  }
0xae: {  	[sflag:s8] =	ssyncadd.s32 $0xFFFFFFC0  }
0xaf: {  	_ =	swait.ge [sflag:s8], $0x40  }
0xb0: {  	[sflag:s8] =	ssyncset.done $0x0  }
0xb1: {  	[sflag:s8] =	ssyncadd.s32 $0xFFFFFFC0  }
0xb2: {  	_ =	swait.ge [sflag:s8], $0x40  }
0xb3: {  	[sflag:s8] =	ssyncset.done $0x0  }
0xb4: {  	[sflag:s8] =	ssyncadd.s32 $0xFFFFFFC0  }
0xb5: {  	_ =	swait.ge [sflag:s8], $0x40  }
0xb6: {  	[sflag:s8] =	ssyncset.done $0x0  }
0xb7: {  	[sflag:s8] =	ssyncadd.s32 $0xFFFFFFC0  }
0xb8: {  	_ =	swait.ge [sflag:s8], $0x40  }
0xb9: {  	[sflag:s8] =	ssyncset.done $0x0  }
0xba: {  	[sflag:s8] =	ssyncadd.s32 $0xFFFFFFC0  }
0xbb: {  	_ =	swait.ge [sflag:s8], $0x40  }
0xbc: {  	[sflag:s8] =	ssyncset.done $0x0  }
0xbd: {  	[sflag:s8] =	ssyncadd.s32 $0xFFFFFFC0  }
0xbe: {  	_ =	swait.ge [sflag:s8], $0x40  }
0xbf: {  	[sflag:s8] =	ssyncset.done $0x0  }
0xc0: {  	[sflag:s8] =	ssyncadd.s32 $0xFFFFFFC0  }
0xc1: {  	_ =	swait.ge [sflag:s8], $0x40  }
0xc2: {  	[sflag:s8] =	ssyncset.done $0x0  }
0xc3: {  	[sflag:s8] =	ssyncadd.s32 $0xFFFFFFC0  }
0xc4: {  	_ =	swait.ge [sflag:s8], $0x40  }
0xc5: {  	[sflag:s8] =	ssyncset.done $0x0  }
0xc6: {  	[sflag:s8] =	ssyncadd.s32 $0xFFFFFFC0  }
0xc7: {  	_ =	swait.ge [sflag:s8], $0x40  }
0xc8: {  	[sflag:s8] =	ssyncset.done $0x0  }
0xc9: {  	[sflag:s8] =	ssyncadd.s32 $0xFFFFFFC0  }
0xca: {  	_ =	swait.ge [sflag:s8], $0x40  }
0xcb: {  	[sflag:s8] =	ssyncset.done $0x0  }
0xcc: {  	[sflag:s8] =	ssyncadd.s32 $0xFFFFFFC0  }
.Ltmp1:
0xcd: {  	_ =	swait.ge [sflag:s8], $0x40;
	(pc) =	sbr.rel @p0 .LBB2_4-.Ltmp1, $4  }
0xce: {  	[sflag:s8] =	ssyncset.done $0x0  }
0xcf: {  	[sflag:s8] =	ssyncadd.s32 $0xFFFFFFC0  }
0xd0: {  	_ =	swait.ge [sflag:s8], $0x40  }
0xd1: {  	[sflag:s8] =	ssyncset.done $0x0  }
0xd2: {  	s10 =	sadd.s32 $0x1, s10  }
0xd3: {  	p0 =	sne.s32 s10, s6  }
.Ltmp2:
0xd4: {  	[sflag:s8] =	ssyncadd.s32 $0xFFFFFFC0;
	(pc) =	sbr.rel @p0 .LBB2_1-.Ltmp2, $4  }
0xd5: {  	[hbm4b:s5+s2] =	stream.linear.scatter [tilespmem:s9], [sflag:$0x2], $0x8000, $0x38;
	[tilespmem:$0x8200] =	vst v63  }
0xd6: {  	_ =	swait.ge [sflag:s7], $0x8000  }
0xd7: {  	[sflag:s7] =	ssyncset.done $0x0  }
0xd8: {  	[sflag:s7] =	ssyncadd.s32 $0xFFFF8000  }
0xd9: {  	_ =	sfence.sel $0x180000  }
0xda: {  	[bflag:$0x0] =	sbarrier.arrive $0xFFFF  }
0xdb: {  	p0 =	sne.s32 s1, $0x0;
	_ =	strace $0x90000047  }
0xdc: {  	s0 =	sadd.s32 @!p0 $0x100000, s0;
	[bflag:$0x2] =	sbarrier.arrive $0xFFFF  }
0xdd: {  	[sflag:s0] =	ssyncadd.tile.s32 @!p0 $0x1;
	_ =	shalt  }
.Lfunc_end2:
_tile_overlayer_lowered:
.L_overlay_start_2:
0xde: {  	(tag) =	ssettag $0x2  }
0xdf: {  	s0 =	rddreg [dreg:$0x0];
	s2 =	stileid.u32  }
0xe0: {  	s1 =	rddreg [dreg:$0x1];
	p0 =	sne.s32 s2, $0x0  }
0xe1: {  	s3 =	rddreg [dreg:$0x2];
	[bflag:$0x3] =	sbarrier.arrive $0xFFFF;
	s2 =	simm.s32 @!p0 $0x1C02  }
0xe2: {  	[timem:s3], [sflag:s2] =	dma.local @!p0 [hbm:s0], s1  }
0xe3: {  	s0 =	simm.s32 @!p0 $0x2  }
0xe4: {  	_ =	swait.ge @!p0 [sflag:s0], s1  }
0xe5: {  	s1 =	ssub.s32 @!p0 $0x0, s1;
	[sflag:s0] =	ssyncset.done @!p0 $0x0  }
0xe6: {  	[sflag:s0] =	ssyncadd.s32 @!p0 s1  }
0xe7: {  	[bflag:$0x3] =	sbarrier.arrive $0xFFFF  }
0xe8: {  	_ =	shalt  }

</sc_bundles>
